<compile_context>
chip_gen: v7x
topology: tpu7x:2x2x1
jax: 0.10.2.dev20260603
libtpu: 0.0.44.dev20260713+nightly
codegen_flags: <defaults>
</compile_context>

<pallas_src>
import dataclasses
import functools

import jax
import jax.numpy as jnp
from jax import lax
from jax.experimental import pallas as pl
from jax.experimental.pallas import tpu as pltpu
from jax.experimental.pallas import tpu_sc as plsc

_NN = 10000
_NP = 10240
_E = 160000
_EP = 163840
_NROW = 1280


def _vmesh():
    return plsc.VectorSubcoreMesh(core_axis_name="c", subcore_axis_name="s")



_degree_cp = pltpu.CompilerParams()
if "needs_layout_passes" in pltpu.CompilerParams.__dataclass_fields__:
    _degree_cp = dataclasses.replace(_degree_cp, needs_layout_passes=False)


def _sc_degree(dst2, zeros_np):

    @functools.partial(
        pl.kernel,
        out_type=jax.ShapeDtypeStruct((2, 16, _NP), jnp.float32),
        mesh=_vmesh(),
        compiler_params=_degree_cp,
        scratch_types=[
            pltpu.VMEM((_NP,), jnp.float32),
            pltpu.VMEM((40, 128), jnp.int32),
        ],
    )
    def k(dst2_hbm, zeros_hbm, out_hbm, cnt, di):
        c = lax.axis_index("c")
        s = lax.axis_index("s")
        pltpu.sync_copy(zeros_hbm, cnt)
        pltpu.sync_copy(dst2_hbm.at[pl.ds(c * 640 + s * 40, 40)], di)
        ones16 = jnp.ones((16,), jnp.float32)

        @pl.loop(0, 40)
        def _(j):
            @pl.loop(0, 8)
            def _(kk):
                idx16 = di[j, pl.ds(kk * 16, 16)]
                plsc.addupdate_scatter(cnt, [idx16], ones16)

        plsc.subcore_barrier()
        pltpu.sync_copy(cnt, out_hbm.at[c, s])

    return k(dst2, zeros_np)



def _sc_agg(g, src2, dst2, fsplit):
    npass = 2 if fsplit else 1

    @functools.partial(
        pl.kernel,
        out_type=jax.ShapeDtypeStruct((2, _NP, 128), jnp.float32),
        mesh=_vmesh(),
        scratch_types=[
            pltpu.VMEM_SHARED((_NP, 128), jnp.float32),
            pltpu.VMEM((40, 128), jnp.int32),
            pltpu.VMEM((40, 128), jnp.int32),
            pltpu.VMEM((128, 128), jnp.float32),
            pltpu.VMEM((128, 128), jnp.float32),
            pltpu.SemaphoreType.DMA,
            pltpu.SemaphoreType.DMA,
        ],
    )
    def k(g_hbm, s2_hbm, d2_hbm, out_hbm, acc, si, di, r0, r1, gs0, gs1):
        c = lax.axis_index("c")
        s = lax.axis_index("s")
        gref = g_hbm.at[c] if fsplit else g_hbm

        rb = s * 640
        pltpu.sync_copy(gref.at[pl.ds(rb, 640)], acc.at[pl.ds(rb, 640)])
        plsc.subcore_barrier()

        for p in range(npass):
            irow = (s * 80 + p * 40) if fsplit else c * 640 + s * 40
            pltpu.sync_copy(s2_hbm.at[pl.ds(irow, 40)], si)
            pltpu.sync_copy(d2_hbm.at[pl.ds(irow, 40)], di)

            pltpu.async_copy(gref.at[si.at[0]], r0, gs0).wait()

            @pl.loop(0, 19)
            def _(jj):
                j = jj * 2
                h1 = pltpu.async_copy(gref.at[si.at[j + 1]], r1, gs1)
                pltpu.sync_copy(r0, acc.at[di.at[j]], add=True)
                h1.wait()
                h2 = pltpu.async_copy(gref.at[si.at[j + 2]], r0, gs0)
                pltpu.sync_copy(r1, acc.at[di.at[j + 1]], add=True)
                h2.wait()

            h1 = pltpu.async_copy(gref.at[si.at[39]], r1, gs1)
            pltpu.sync_copy(r0, acc.at[di.at[38]], add=True)
            h1.wait()
            pltpu.sync_copy(r1, acc.at[di.at[39]], add=True)

        plsc.subcore_barrier()
        pltpu.sync_copy(acc.at[pl.ds(rb, 640)], out_hbm.at[c, pl.ds(rb, 640)])

    return k(g, src2, dst2)



def _tc_mm1(x, W1):
    def body(x_ref, w_ref, o_ref):
        o_ref[...] = jnp.dot(x_ref[...], w_ref[...],
                             preferred_element_type=jnp.float32)

    return pl.pallas_call(
        body,
        grid=(10,),
        in_specs=[
            pl.BlockSpec((1024, 256), lambda i: (i, 0)),
            pl.BlockSpec((256, 256), lambda i: (0, 0)),
        ],
        out_specs=pl.BlockSpec((1024, 256), lambda i: (i, 0)),
        out_shape=jax.ShapeDtypeStruct((_NP, 256), jnp.float32),
    )(x, W1)


def _tc_scale1(h, degp):

    def body(h_ref, p_ref, o_ref, dv_ref):
        deg = jnp.sum(p_ref[0] + p_ref[1], axis=0) + 1.0
        dv = lax.rsqrt(deg)
        dv_ref[...] = dv
        g = h_ref[...] * dv[:, None]
        o_ref[0] = g[:, :128]
        o_ref[1] = g[:, 128:]

    return pl.pallas_call(
        body,
        grid=(10,),
        in_specs=[
            pl.BlockSpec((1024, 256), lambda i: (i, 0)),
            pl.BlockSpec((2, 16, 1024), lambda i: (0, 0, i)),
        ],
        out_specs=[
            pl.BlockSpec((2, 1024, 128), lambda i: (0, i, 0)),
            pl.BlockSpec((1024,), lambda i: (i,)),
        ],
        out_shape=[
            jax.ShapeDtypeStruct((2, _NP, 128), jnp.float32),
            jax.ShapeDtypeStruct((_NP,), jnp.float32),
        ],
    )(h, degp)


def _tc_layer_mid(a1, dinv, b1, W2):
    def body(a_ref, dv_ref, b_ref, w_ref, o_ref):
        dv = dv_ref[...][:, None]
        t0 = a_ref[0] * dv + b_ref[...][None, :128]
        t1 = a_ref[1] * dv + b_ref[...][None, 128:]
        t = jnp.maximum(jnp.concatenate([t0, t1], axis=1), 0.0)
        o_ref[...] = jnp.dot(
            t, w_ref[...], preferred_element_type=jnp.float32) * dv

    return pl.pallas_call(
        body,
        grid=(10,),
        in_specs=[
            pl.BlockSpec((2, 1024, 128), lambda i: (0, i, 0)),
            pl.BlockSpec((1024,), lambda i: (i,)),
            pl.BlockSpec((256,), lambda i: (0,)),
            pl.BlockSpec((256, 128), lambda i: (0, 0)),
        ],
        out_specs=pl.BlockSpec((1024, 128), lambda i: (i, 0)),
        out_shape=jax.ShapeDtypeStruct((_NP, 128), jnp.float32),
    )(a1, dinv, b1, W2)


def _tc_layer2_out(a2, g2, dinv, b2):
    def body(p_ref, g_ref, dv_ref, b_ref, o_ref):
        agg = p_ref[0] + p_ref[1] - g_ref[...]
        o_ref[...] = agg * dv_ref[...][:, None] + b_ref[...][None, :]

    return pl.pallas_call(
        body,
        grid=(10,),
        in_specs=[
            pl.BlockSpec((2, 1024, 128), lambda i: (0, i, 0)),
            pl.BlockSpec((1024, 128), lambda i: (i, 0)),
            pl.BlockSpec((1024,), lambda i: (i,)),
            pl.BlockSpec((128,), lambda i: (0,)),
        ],
        out_specs=pl.BlockSpec((1024, 128), lambda i: (i, 0)),
        out_shape=jax.ShapeDtypeStruct((_NN, 128), jnp.float32),
    )(a2, g2, dinv, b2)



def kernel(x, edge_index, W1, b1, W2, b2):
    src = edge_index[0].astype(jnp.int32)
    dst = edge_index[1].astype(jnp.int32)

    npad = _EP - _E
    pad_iota = jnp.arange(npad, dtype=jnp.int32) % (_NP - _NN)
    src1 = jnp.concatenate([src, _NN + pad_iota])
    dst1 = jnp.concatenate([dst, _NN + pad_iota])
    dst2 = dst1.reshape(_NROW, 128)
    x_p = jnp.concatenate(
        [x, jnp.zeros((_NP - _NN, x.shape[1]), jnp.float32)], axis=0)

    h = _tc_mm1(x_p, W1)
    degp = _sc_degree(dst2, jnp.zeros((_NP,), jnp.float32))
    g1, dinv = _tc_scale1(h, degp)
    src2 = src1.reshape(_NROW, 128)
    a1 = _sc_agg(g1, src2, dst2, fsplit=True)
    g2 = _tc_layer_mid(a1, dinv, b1, W2)
    a2 = _sc_agg(g2, src2, dst2, fsplit=False)
    return _tc_layer2_out(a2, g2, dinv, b2)

# --- scband reference (transcript-rebuilt; emitter-appended) ---
"""Pipeline reference for scband-gcnencoder-5686536700333 (READ-ONLY COPY).

The authoritative reference and input builder live on the scoring server;
editing this copy changes nothing except your own understanding.
"""

import jax, jax.numpy as jnp
import numpy as np

N_NODES = 10000


def gcn_conv(x, edge_index, W, b):
    N = x.shape[0]
    loop = jnp.arange(N, dtype=edge_index.dtype)
    src = jnp.concatenate([edge_index[0], loop])
    dst = jnp.concatenate([edge_index[1], loop])
    h = x @ W
    deg = jnp.zeros((N,), dtype=h.dtype).at[dst].add(1.0)
    dinv = jnp.where(deg > 0, deg ** -0.5, 0.0)
    norm = dinv[src] * dinv[dst]
    msg = h[src] * norm[:, None]
    out = jnp.zeros_like(h).at[dst].add(msg)
    return out + b


def setup_inputs(seed: int = 0) -> dict:
    key = jax.random.key(seed)
    k_x, k_e, k_w1, k_w2 = jax.random.split(key, 4)
    in_channels = 256
    out_channels = 128
    hidden = 2 * out_channels  # 256
    x = jax.random.normal(k_x, (N_NODES, in_channels), dtype=jnp.float32)
    edge_index = jax.random.randint(k_e, (2, 160000), 0, N_NODES, dtype=jnp.int64)
    s1 = 1.0 / np.sqrt(in_channels)
    s2 = 1.0 / np.sqrt(hidden)
    W1 = jax.random.uniform(k_w1, (in_channels, hidden), dtype=jnp.float32, minval=-s1, maxval=s1)
    b1 = jnp.zeros((hidden,), dtype=jnp.float32)
    W2 = jax.random.uniform(k_w2, (hidden, out_channels), dtype=jnp.float32, minval=-s2, maxval=s2)
    b2 = jnp.zeros((out_channels,), dtype=jnp.float32)
    return {"x": x, "edge_index": edge_index, "W1": W1, "b1": b1, "W2": W2, "b2": b2}


def reference(x, edge_index, W1, b1, W2, b2):
    h = gcn_conv(x, edge_index, W1, b1)
    h = jax.nn.relu(h)
    out = gcn_conv(h, edge_index, W2, b2)
    return out

if __name__ == "__main__":
    import jax
    _d = setup_inputs()
    print(jax.jit(kernel)(*tuple(_d.values())))

</pallas_src>

<mosaic_0001>
#map = affine_map<(d0, d1) -> (0, 0)>
#map1 = affine_map<(d0, d1) -> (0)>
#map2 = affine_map<(d0, d1) -> (0, 0, 0)>
module attributes {stable_mosaic.version = 14 : i64} {
  func.func @k(%arg0: i32, %arg1: i32, %arg2: memref<1280x128xi32, #tpu.memory_space<hbm>>, %arg3: memref<10240xf32, #tpu.memory_space<hbm>>, %arg4: memref<2x16x10240xf32, #tpu.memory_space<hbm>>, %arg5: memref<10240xf32, #tpu.memory_space<vmem>>, %arg6: memref<40x128xi32, #tpu.memory_space<vmem>>) attributes {dimension_semantics = [#tpu.dimension_semantics<core_parallel>, #tpu.dimension_semantics<subcore_parallel>], iteration_bounds = array<i64: 2, 16>, scalar_prefetch = 0 : i64, scratch_operands = 2 : i64, tpu.core_type = #tpu.core_type<sc_vector_subcore>, window_params = [{transform_indices = #map}, {transform_indices = #map1}, {transform_indices = #map2}]} {
    "tpu.region"() ({
      %run_scoped3A = tpu.sem_alloc : memref<!tpu.dma_semaphore, #tpu.memory_space<semaphore_mem>>
      tpu.enqueue_dma source(%arg3 : memref<10240xf32, #tpu.memory_space<hbm>>) target(%arg5 : memref<10240xf32, #tpu.memory_space<vmem>>) target_semaphore(%run_scoped3A : memref<!tpu.dma_semaphore, #tpu.memory_space<semaphore_mem>>)
      tpu.wait_dma2 semaphore(%run_scoped3A : memref<!tpu.dma_semaphore, #tpu.memory_space<semaphore_mem>>) src(%arg3 : memref<10240xf32, #tpu.memory_space<hbm>>) dst(%arg5 : memref<10240xf32, #tpu.memory_space<vmem>>)
      tpu.yield
    }) : () -> ()
    %mul3A = arith.constant 640 : i32
    %mul3A_0 = arith.muli %arg0, %mul3A : i32
    %mul3A_1 = arith.constant 40 : i32
    %mul3A_2 = arith.muli %arg1, %mul3A_1 : i32
    %add3A = arith.addi %mul3A_0, %mul3A_2 : i32
    "tpu.region"() ({
      %run_scoped3A = tpu.sem_alloc : memref<!tpu.dma_semaphore, #tpu.memory_space<semaphore_mem>>
      %dma_start3A = arith.constant 0 : i32
      %dma_start3A_8 = tpu.memref_slice %arg2[%add3A, %dma_start3A] : memref<1280x128xi32, #tpu.memory_space<hbm>> -> memref<40x128xi32, #tpu.memory_space<hbm>>
      %dma_start3A_9 = arith.constant 0 : i32
      %dma_start3A_10 = tpu.memref_slice %arg2[%add3A, %dma_start3A_9] : memref<1280x128xi32, #tpu.memory_space<hbm>> -> memref<40x128xi32, #tpu.memory_space<hbm>>
      tpu.enqueue_dma source(%dma_start3A_10 : memref<40x128xi32, #tpu.memory_space<hbm>>) target(%arg6 : memref<40x128xi32, #tpu.memory_space<vmem>>) target_semaphore(%run_scoped3A : memref<!tpu.dma_semaphore, #tpu.memory_space<semaphore_mem>>)
      %dma_wait3A = arith.constant 0 : i32
      %dma_wait3A_11 = tpu.memref_slice %arg2[%add3A, %dma_wait3A] : memref<1280x128xi32, #tpu.memory_space<hbm>> -> memref<40x128xi32, #tpu.memory_space<hbm>>
      %dma_wait3A_12 = arith.constant 0 : i32
      %dma_wait3A_13 = tpu.memref_slice %arg2[%add3A, %dma_wait3A_12] : memref<1280x128xi32, #tpu.memory_space<hbm>> -> memref<40x128xi32, #tpu.memory_space<hbm>>
      tpu.wait_dma2 semaphore(%run_scoped3A : memref<!tpu.dma_semaphore, #tpu.memory_space<semaphore_mem>>) src(%dma_wait3A_13 : memref<40x128xi32, #tpu.memory_space<hbm>>) dst(%arg6 : memref<40x128xi32, #tpu.memory_space<vmem>>)
      tpu.yield
    }) : () -> ()
    %broadcast_in_dim3A = arith.constant 1.000000e+00 : f32
    %broadcast_in_dim3A_3 = vector.broadcast %broadcast_in_dim3A : f32 to vector<16xf32>
    %scan3A = arith.constant 0 : i32
    %scan3A_4 = arith.constant 40 : i32
    %scan3A_5 = arith.addi %scan3A, %scan3A_4 : i32
    %scan3A_6 = arith.constant 1 : i32
    scf.for %scan3A_8 = %scan3A to %scan3A_5 step %scan3A_6  : i32 {
      %mul3A_9 = arith.constant 1 : i32
      %mul3A_10 = arith.muli %scan3A_8, %mul3A_9 : i32
      %add3A_11 = arith.constant 0 : i32
      %add3A_12 = arith.addi %add3A_11, %mul3A_10 : i32
      %scan3A_13 = arith.constant 0 : i32
      %scan3A_14 = arith.constant 8 : i32
      %scan3A_15 = arith.addi %scan3A_13, %scan3A_14 : i32
      %scan3A_16 = arith.constant 1 : i32
      scf.for %scan3A_18 = %scan3A_13 to %scan3A_15 step %scan3A_16  : i32 {
        %mul3A_19 = arith.constant 1 : i32
        %mul3A_20 = arith.muli %scan3A_18, %mul3A_19 : i32
        %add3A_21 = arith.constant 0 : i32
        %add3A_22 = arith.addi %add3A_21, %mul3A_20 : i32
        %mul3A_23 = arith.constant 16 : i32
        %mul3A_24 = arith.muli %add3A_22, %mul3A_23 : i32
        %get3A = arith.index_cast %add3A_12 : i32 to index
        %get3A_25 = arith.index_cast %mul3A_24 : i32 to index
        %get3A_26 = tpu.vector_load %arg6[%get3A, %get3A_25] {strides = array<i32>} : memref<40x128xi32, #tpu.memory_space<vmem>>, vector<16xi32>,
        tpu.vector_store_idx %arg5[%get3A_26], %broadcast_in_dim3A_3 {add = true} : memref<10240xf32, #tpu.memory_space<vmem>>[vector<16xi32>], vector<16xf32>,
      }
      %scan3A_17 = arith.constant 8 : i32
    }
    %scan3A_7 = arith.constant 40 : i32
    %barrier3A = arith.constant 0 : index
    tpu.barrier barrier_id(%barrier3A)
    "tpu.region"() ({
      %run_scoped3A = tpu.sem_alloc : memref<!tpu.dma_semaphore, #tpu.memory_space<semaphore_mem>>
      %dma_start3A = arith.constant 0 : i32
      %dma_start3A_8 = tpu.memref_slice %arg4[%arg0, %arg1, %dma_start3A] : memref<2x16x10240xf32, #tpu.memory_space<hbm>> -> memref<1x1x10240xf32, #tpu.memory_space<hbm>>
      %dma_start3A_9 = tpu.memref_squeeze %dma_start3A_8 : memref<1x1x10240xf32, #tpu.memory_space<hbm>> -> memref<10240xf32, #tpu.memory_space<hbm>>
      %dma_start3A_10 = arith.constant 0 : i32
      %dma_start3A_11 = tpu.memref_slice %arg4[%arg0, %arg1, %dma_start3A_10] : memref<2x16x10240xf32, #tpu.memory_space<hbm>> -> memref<1x1x10240xf32, #tpu.memory_space<hbm>>
      %dma_start3A_12 = tpu.memref_squeeze %dma_start3A_11 : memref<1x1x10240xf32, #tpu.memory_space<hbm>> -> memref<10240xf32, #tpu.memory_space<hbm>>
      tpu.enqueue_dma source(%arg5 : memref<10240xf32, #tpu.memory_space<vmem>>) target(%dma_start3A_12 : memref<10240xf32, #tpu.memory_space<hbm>>) target_semaphore(%run_scoped3A : memref<!tpu.dma_semaphore, #tpu.memory_space<semaphore_mem>>)
      %dma_wait3A = arith.constant 0 : i32
      %dma_wait3A_13 = tpu.memref_slice %arg4[%arg0, %arg1, %dma_wait3A] : memref<2x16x10240xf32, #tpu.memory_space<hbm>> -> memref<1x1x10240xf32, #tpu.memory_space<hbm>>
      %dma_wait3A_14 = tpu.memref_squeeze %dma_wait3A_13 : memref<1x1x10240xf32, #tpu.memory_space<hbm>> -> memref<10240xf32, #tpu.memory_space<hbm>>
      %dma_wait3A_15 = arith.constant 0 : i32
      %dma_wait3A_16 = tpu.memref_slice %arg4[%arg0, %arg1, %dma_wait3A_15] : memref<2x16x10240xf32, #tpu.memory_space<hbm>> -> memref<1x1x10240xf32, #tpu.memory_space<hbm>>
      %dma_wait3A_17 = tpu.memref_squeeze %dma_wait3A_16 : memref<1x1x10240xf32, #tpu.memory_space<hbm>> -> memref<10240xf32, #tpu.memory_space<hbm>>
      tpu.wait_dma2 semaphore(%run_scoped3A : memref<!tpu.dma_semaphore, #tpu.memory_space<semaphore_mem>>) src(%arg5 : memref<10240xf32, #tpu.memory_space<vmem>>) dst(%dma_wait3A_17 : memref<10240xf32, #tpu.memory_space<hbm>>)
      tpu.yield
    }) : () -> ()
    return
  }
}

#map = affine_map<(d0, d1) -> (0, 0)>
#map1 = affine_map<(d0, d1) -> (0, 0, 0)>
module attributes {stable_mosaic.version = 14 : i64} {
  func.func @k(%arg0: i32, %arg1: i32, %arg2: memref<10240x128xf32, #tpu.memory_space<hbm>>, %arg3: memref<1280x128xi32, #tpu.memory_space<hbm>>, %arg4: memref<1280x128xi32, #tpu.memory_space<hbm>>, %arg5: memref<2x10240x128xf32, #tpu.memory_space<hbm>>, %arg6: memref<10240x128xf32, #tpu.memory_space<vmem_shared>>, %arg7: memref<40x128xi32, #tpu.memory_space<vmem>>, %arg8: memref<40x128xi32, #tpu.memory_space<vmem>>, %arg9: memref<128x128xf32, #tpu.memory_space<vmem>>, %arg10: memref<128x128xf32, #tpu.memory_space<vmem>>, %arg11: memref<!tpu.dma_semaphore, #tpu.memory_space<semaphore_mem>>, %arg12: memref<!tpu.dma_semaphore, #tpu.memory_space<semaphore_mem>>) attributes {dimension_semantics = [#tpu.dimension_semantics<core_parallel>, #tpu.dimension_semantics<subcore_parallel>], iteration_bounds = array<i64: 2, 16>, scalar_prefetch = 0 : i64, scratch_operands = 7 : i64, tpu.core_type = #tpu.core_type<sc_vector_subcore>, window_params = [{transform_indices = #map}, {transform_indices = #map}, {transform_indices = #map}, {transform_indices = #map1}]} {
    %mul3A = arith.constant 640 : i32
    %mul3A_0 = arith.muli %arg1, %mul3A : i32
    "tpu.region"() ({
      %run_scoped3A_37 = tpu.sem_alloc : memref<!tpu.dma_semaphore, #tpu.memory_space<semaphore_mem>>
      %dma_start3A_38 = arith.constant 0 : i32
      %dma_start3A_39 = tpu.memref_slice %arg6[%mul3A_0, %dma_start3A_38] : memref<10240x128xf32, #tpu.memory_space<vmem_shared>> -> memref<640x128xf32, #tpu.memory_space<vmem_shared>>
      %dma_start3A_40 = arith.constant 0 : i32
      %dma_start3A_41 = tpu.memref_slice %arg2[%mul3A_0, %dma_start3A_40] : memref<10240x128xf32, #tpu.memory_space<hbm>> -> memref<640x128xf32, #tpu.memory_space<hbm>>
      tpu.enqueue_dma source(%dma_start3A_41 : memref<640x128xf32, #tpu.memory_space<hbm>>) target(%dma_start3A_39 : memref<640x128xf32, #tpu.memory_space<vmem_shared>>) target_semaphore(%run_scoped3A_37 : memref<!tpu.dma_semaphore, #tpu.memory_space<semaphore_mem>>)
      %dma_wait3A_42 = arith.constant 0 : i32
      %dma_wait3A_43 = tpu.memref_slice %arg6[%mul3A_0, %dma_wait3A_42] : memref<10240x128xf32, #tpu.memory_space<vmem_shared>> -> memref<640x128xf32, #tpu.memory_space<vmem_shared>>
      %dma_wait3A_44 = arith.constant 0 : i32
      %dma_wait3A_45 = tpu.memref_slice %arg2[%mul3A_0, %dma_wait3A_44] : memref<10240x128xf32, #tpu.memory_space<hbm>> -> memref<640x128xf32, #tpu.memory_space<hbm>>
      tpu.wait_dma2 semaphore(%run_scoped3A_37 : memref<!tpu.dma_semaphore, #tpu.memory_space<semaphore_mem>>) src(%dma_wait3A_45 : memref<640x128xf32, #tpu.memory_space<hbm>>) dst(%dma_wait3A_43 : memref<640x128xf32, #tpu.memory_space<vmem_shared>>)
      tpu.yield
    }) : () -> ()
    %barrier3A = arith.constant 0 : index
    tpu.barrier barrier_id(%barrier3A)
    %mul3A_1 = arith.constant 640 : i32
    %mul3A_2 = arith.muli %arg0, %mul3A_1 : i32
    %mul3A_3 = arith.constant 40 : i32
    %mul3A_4 = arith.muli %arg1, %mul3A_3 : i32
    %add3A = arith.addi %mul3A_2, %mul3A_4 : i32
    "tpu.region"() ({
      %run_scoped3A_37 = tpu.sem_alloc : memref<!tpu.dma_semaphore, #tpu.memory_space<semaphore_mem>>
      %dma_start3A_38 = arith.constant 0 : i32
      %dma_start3A_39 = tpu.memref_slice %arg3[%add3A, %dma_start3A_38] : memref<1280x128xi32, #tpu.memory_space<hbm>> -> memref<40x128xi32, #tpu.memory_space<hbm>>
      %dma_start3A_40 = arith.constant 0 : i32
      %dma_start3A_41 = tpu.memref_slice %arg3[%add3A, %dma_start3A_40] : memref<1280x128xi32, #tpu.memory_space<hbm>> -> memref<40x128xi32, #tpu.memory_space<hbm>>
      tpu.enqueue_dma source(%dma_start3A_41 : memref<40x128xi32, #tpu.memory_space<hbm>>) target(%arg7 : memref<40x128xi32, #tpu.memory_space<vmem>>) target_semaphore(%run_scoped3A_37 : memref<!tpu.dma_semaphore, #tpu.memory_space<semaphore_mem>>)
      %dma_wait3A_42 = arith.constant 0 : i32
      %dma_wait3A_43 = tpu.memref_slice %arg3[%add3A, %dma_wait3A_42] : memref<1280x128xi32, #tpu.memory_space<hbm>> -> memref<40x128xi32, #tpu.memory_space<hbm>>
      %dma_wait3A_44 = arith.constant 0 : i32
      %dma_wait3A_45 = tpu.memref_slice %arg3[%add3A, %dma_wait3A_44] : memref<1280x128xi32, #tpu.memory_space<hbm>> -> memref<40x128xi32, #tpu.memory_space<hbm>>
      tpu.wait_dma2 semaphore(%run_scoped3A_37 : memref<!tpu.dma_semaphore, #tpu.memory_space<semaphore_mem>>) src(%dma_wait3A_45 : memref<40x128xi32, #tpu.memory_space<hbm>>) dst(%arg7 : memref<40x128xi32, #tpu.memory_space<vmem>>)
      tpu.yield
    }) : () -> ()
    "tpu.region"() ({
      %run_scoped3A_37 = tpu.sem_alloc : memref<!tpu.dma_semaphore, #tpu.memory_space<semaphore_mem>>
      %dma_start3A_38 = arith.constant 0 : i32
      %dma_start3A_39 = tpu.memref_slice %arg4[%add3A, %dma_start3A_38] : memref<1280x128xi32, #tpu.memory_space<hbm>> -> memref<40x128xi32, #tpu.memory_space<hbm>>
      %dma_start3A_40 = arith.constant 0 : i32
      %dma_start3A_41 = tpu.memref_slice %arg4[%add3A, %dma_start3A_40] : memref<1280x128xi32, #tpu.memory_space<hbm>> -> memref<40x128xi32, #tpu.memory_space<hbm>>
      tpu.enqueue_dma source(%dma_start3A_41 : memref<40x128xi32, #tpu.memory_space<hbm>>) target(%arg8 : memref<40x128xi32, #tpu.memory_space<vmem>>) target_semaphore(%run_scoped3A_37 : memref<!tpu.dma_semaphore, #tpu.memory_space<semaphore_mem>>)
      %dma_wait3A_42 = arith.constant 0 : i32
      %dma_wait3A_43 = tpu.memref_slice %arg4[%add3A, %dma_wait3A_42] : memref<1280x128xi32, #tpu.memory_space<hbm>> -> memref<40x128xi32, #tpu.memory_space<hbm>>
      %dma_wait3A_44 = arith.constant 0 : i32
      %dma_wait3A_45 = tpu.memref_slice %arg4[%add3A, %dma_wait3A_44] : memref<1280x128xi32, #tpu.memory_space<hbm>> -> memref<40x128xi32, #tpu.memory_space<hbm>>
      tpu.wait_dma2 semaphore(%run_scoped3A_37 : memref<!tpu.dma_semaphore, #tpu.memory_space<semaphore_mem>>) src(%dma_wait3A_45 : memref<40x128xi32, #tpu.memory_space<hbm>>) dst(%arg8 : memref<40x128xi32, #tpu.memory_space<vmem>>)
      tpu.yield
    }) : () -> ()
    %dma_start3A = arith.constant 0 : i32
    %dma_start3A_5 = arith.constant 0 : i32
    %dma_start3A_6 = tpu.memref_slice %arg7[%dma_start3A, %dma_start3A_5] : memref<40x128xi32, #tpu.memory_space<vmem>> -> memref<1x128xi32, #tpu.memory_space<vmem>>
    %dma_start3A_7 = tpu.memref_squeeze %dma_start3A_6 : memref<1x128xi32, #tpu.memory_space<vmem>> -> memref<128xi32, #tpu.memory_space<vmem>>
    %dma_start3A_8 = arith.constant 0 : i32
    %dma_start3A_9 = arith.constant 0 : i32
    %dma_start3A_10 = tpu.memref_slice %arg2[%dma_start3A_8, %dma_start3A_9] : memref<10240x128xf32, #tpu.memory_space<hbm>> -> memref<10240x128xf32, #tpu.memory_space<hbm>>
    tpu.enqueue_indirect_dma source(%dma_start3A_10 : memref<10240x128xf32, #tpu.memory_space<hbm>>) target(%arg9 : memref<128x128xf32, #tpu.memory_space<vmem>>) offsets(%dma_start3A_7 : memref<128xi32, #tpu.memory_space<vmem>>) semaphore(%arg11 : memref<!tpu.dma_semaphore, #tpu.memory_space<semaphore_mem>>)
    %dma_wait3A = arith.constant 0 : i32
    %dma_wait3A_11 = arith.constant 0 : i32
    %dma_wait3A_12 = tpu.memref_slice %arg7[%dma_wait3A, %dma_wait3A_11] : memref<40x128xi32, #tpu.memory_space<vmem>> -> memref<1x128xi32, #tpu.memory_space<vmem>>
    %dma_wait3A_13 = tpu.memref_squeeze %dma_wait3A_12 : memref<1x128xi32, #tpu.memory_space<vmem>> -> memref<128xi32, #tpu.memory_space<vmem>>
    %dma_wait3A_14 = arith.constant 0 : i32
    %dma_wait3A_15 = arith.constant 0 : i32
    %dma_wait3A_16 = tpu.memref_slice %arg2[%dma_wait3A_14, %dma_wait3A_15] : memref<10240x128xf32, #tpu.memory_space<hbm>> -> memref<10240x128xf32, #tpu.memory_space<hbm>>
    tpu.wait_indirect_dma semaphore(%arg11 : memref<!tpu.dma_semaphore, #tpu.memory_space<semaphore_mem>>) src(%dma_wait3A_16 : memref<10240x128xf32, #tpu.memory_space<hbm>>) dst(%arg9 : memref<128x128xf32, #tpu.memory_space<vmem>>)
    %scan3A = arith.constant 0 : i32
    %scan3A_17 = arith.constant 19 : i32
    %scan3A_18 = arith.addi %scan3A, %scan3A_17 : i32
    %scan3A_19 = arith.constant 1 : i32
    scf.for %scan3A_37 = %scan3A to %scan3A_18 step %scan3A_19  : i32 {
      %mul3A_38 = arith.constant 1 : i32
      %mul3A_39 = arith.muli %scan3A_37, %mul3A_38 : i32
      %add3A_40 = arith.constant 0 : i32
      %add3A_41 = arith.addi %add3A_40, %mul3A_39 : i32
      %mul3A_42 = arith.constant 2 : i32
      %mul3A_43 = arith.muli %add3A_41, %mul3A_42 : i32
      %add3A_44 = arith.constant 1 : i32
      %add3A_45 = arith.addi %mul3A_43, %add3A_44 : i32
      %dma_start3A_46 = arith.constant 0 : i32
      %dma_start3A_47 = tpu.memref_slice %arg7[%add3A_45, %dma_start3A_46] : memref<40x128xi32, #tpu.memory_space<vmem>> -> memref<1x128xi32, #tpu.memory_space<vmem>>
      %dma_start3A_48 = tpu.memref_squeeze %dma_start3A_47 : memref<1x128xi32, #tpu.memory_space<vmem>> -> memref<128xi32, #tpu.memory_space<vmem>>
      %dma_start3A_49 = arith.constant 0 : i32
      %dma_start3A_50 = arith.constant 0 : i32
      %dma_start3A_51 = tpu.memref_slice %arg2[%dma_start3A_49, %dma_start3A_50] : memref<10240x128xf32, #tpu.memory_space<hbm>> -> memref<10240x128xf32, #tpu.memory_space<hbm>>
      tpu.enqueue_indirect_dma source(%dma_start3A_51 : memref<10240x128xf32, #tpu.memory_space<hbm>>) target(%arg10 : memref<128x128xf32, #tpu.memory_space<vmem>>) offsets(%dma_start3A_48 : memref<128xi32, #tpu.memory_space<vmem>>) semaphore(%arg12 : memref<!tpu.dma_semaphore, #tpu.memory_space<semaphore_mem>>)
      "tpu.region"() ({
        %run_scoped3A_74 = tpu.sem_alloc : memref<!tpu.dma_semaphore, #tpu.memory_space<semaphore_mem>>
        %dma_start3A_75 = arith.constant 0 : i32
        %dma_start3A_76 = tpu.memref_slice %arg8[%mul3A_43, %dma_start3A_75] : memref<40x128xi32, #tpu.memory_space<vmem>> -> memref<1x128xi32, #tpu.memory_space<vmem>>
        %dma_start3A_77 = tpu.memref_squeeze %dma_start3A_76 : memref<1x128xi32, #tpu.memory_space<vmem>> -> memref<128xi32, #tpu.memory_space<vmem>>
        %dma_start3A_78 = arith.constant 0 : i32
        %dma_start3A_79 = arith.constant 0 : i32
        %dma_start3A_80 = tpu.memref_slice %arg6[%dma_start3A_78, %dma_start3A_79] : memref<10240x128xf32, #tpu.memory_space<vmem_shared>> -> memref<10240x128xf32, #tpu.memory_space<vmem_shared>>
        tpu.enqueue_indirect_dma source(%arg9 : memref<128x128xf32, #tpu.memory_space<vmem>>) target(%dma_start3A_80 : memref<10240x128xf32, #tpu.memory_space<vmem_shared>>) offsets(%dma_start3A_77 : memref<128xi32, #tpu.memory_space<vmem>>) semaphore(%run_scoped3A_74 : memref<!tpu.dma_semaphore, #tpu.memory_space<semaphore_mem>>) {add = true}
        %dma_wait3A_81 = arith.constant 0 : i32
        %dma_wait3A_82 = tpu.memref_slice %arg8[%mul3A_43, %dma_wait3A_81] : memref<40x128xi32, #tpu.memory_space<vmem>> -> memref<1x128xi32, #tpu.memory_space<vmem>>
        %dma_wait3A_83 = tpu.memref_squeeze %dma_wait3A_82 : memref<1x128xi32, #tpu.memory_space<vmem>> -> memref<128xi32, #tpu.memory_space<vmem>>
        %dma_wait3A_84 = arith.constant 0 : i32
        %dma_wait3A_85 = arith.constant 0 : i32
        %dma_wait3A_86 = tpu.memref_slice %arg6[%dma_wait3A_84, %dma_wait3A_85] : memref<10240x128xf32, #tpu.memory_space<vmem_shared>> -> memref<10240x128xf32, #tpu.memory_space<vmem_shared>>
        tpu.wait_indirect_dma semaphore(%run_scoped3A_74 : memref<!tpu.dma_semaphore, #tpu.memory_space<semaphore_mem>>) src(%arg9 : memref<128x128xf32, #tpu.memory_space<vmem>>) dst(%dma_wait3A_86 : memref<10240x128xf32, #tpu.memory_space<vmem_shared>>)
        tpu.yield
      }) : () -> ()
      %dma_wait3A_52 = arith.constant 0 : i32
      %dma_wait3A_53 = tpu.memref_slice %arg7[%add3A_45, %dma_wait3A_52] : memref<40x128xi32, #tpu.memory_space<vmem>> -> memref<1x128xi32, #tpu.memory_space<vmem>>
      %dma_wait3A_54 = tpu.memref_squeeze %dma_wait3A_53 : memref<1x128xi32, #tpu.memory_space<vmem>> -> memref<128xi32, #tpu.memory_space<vmem>>
      %dma_wait3A_55 = arith.constant 0 : i32
      %dma_wait3A_56 = arith.constant 0 : i32
      %dma_wait3A_57 = tpu.memref_slice %arg2[%dma_wait3A_55, %dma_wait3A_56] : memref<10240x128xf32, #tpu.memory_space<hbm>> -> memref<10240x128xf32, #tpu.memory_space<hbm>>
      tpu.wait_indirect_dma semaphore(%arg12 : memref<!tpu.dma_semaphore, #tpu.memory_space<semaphore_mem>>) src(%dma_wait3A_57 : memref<10240x128xf32, #tpu.memory_space<hbm>>) dst(%arg10 : memref<128x128xf32, #tpu.memory_space<vmem>>)
      %add3A_58 = arith.constant 2 : i32
      %add3A_59 = arith.addi %mul3A_43, %add3A_58 : i32
      %dma_start3A_60 = arith.constant 0 : i32
      %dma_start3A_61 = tpu.memref_slice %arg7[%add3A_59, %dma_start3A_60] : memref<40x128xi32, #tpu.memory_space<vmem>> -> memref<1x128xi32, #tpu.memory_space<vmem>>
      %dma_start3A_62 = tpu.memref_squeeze %dma_start3A_61 : memref<1x128xi32, #tpu.memory_space<vmem>> -> memref<128xi32, #tpu.memory_space<vmem>>
      %dma_start3A_63 = arith.constant 0 : i32
      %dma_start3A_64 = arith.constant 0 : i32
      %dma_start3A_65 = tpu.memref_slice %arg2[%dma_start3A_63, %dma_start3A_64] : memref<10240x128xf32, #tpu.memory_space<hbm>> -> memref<10240x128xf32, #tpu.memory_space<hbm>>
      tpu.enqueue_indirect_dma source(%dma_start3A_65 : memref<10240x128xf32, #tpu.memory_space<hbm>>) target(%arg9 : memref<128x128xf32, #tpu.memory_space<vmem>>) offsets(%dma_start3A_62 : memref<128xi32, #tpu.memory_space<vmem>>) semaphore(%arg11 : memref<!tpu.dma_semaphore, #tpu.memory_space<semaphore_mem>>)
      %add3A_66 = arith.constant 1 : i32
      %add3A_67 = arith.addi %mul3A_43, %add3A_66 : i32
      "tpu.region"() ({
        %run_scoped3A_74 = tpu.sem_alloc : memref<!tpu.dma_semaphore, #tpu.memory_space<semaphore_mem>>
        %dma_start3A_75 = arith.constant 0 : i32
        %dma_start3A_76 = tpu.memref_slice %arg8[%add3A_67, %dma_start3A_75] : memref<40x128xi32, #tpu.memory_space<vmem>> -> memref<1x128xi32, #tpu.memory_space<vmem>>
        %dma_start3A_77 = tpu.memref_squeeze %dma_start3A_76 : memref<1x128xi32, #tpu.memory_space<vmem>> -> memref<128xi32, #tpu.memory_space<vmem>>
        %dma_start3A_78 = arith.constant 0 : i32
        %dma_start3A_79 = arith.constant 0 : i32
        %dma_start3A_80 = tpu.memref_slice %arg6[%dma_start3A_78, %dma_start3A_79] : memref<10240x128xf32, #tpu.memory_space<vmem_shared>> -> memref<10240x128xf32, #tpu.memory_space<vmem_shared>>
        tpu.enqueue_indirect_dma source(%arg10 : memref<128x128xf32, #tpu.memory_space<vmem>>) target(%dma_start3A_80 : memref<10240x128xf32, #tpu.memory_space<vmem_shared>>) offsets(%dma_start3A_77 : memref<128xi32, #tpu.memory_space<vmem>>) semaphore(%run_scoped3A_74 : memref<!tpu.dma_semaphore, #tpu.memory_space<semaphore_mem>>) {add = true}
        %dma_wait3A_81 = arith.constant 0 : i32
        %dma_wait3A_82 = tpu.memref_slice %arg8[%add3A_67, %dma_wait3A_81] : memref<40x128xi32, #tpu.memory_space<vmem>> -> memref<1x128xi32, #tpu.memory_space<vmem>>
        %dma_wait3A_83 = tpu.memref_squeeze %dma_wait3A_82 : memref<1x128xi32, #tpu.memory_space<vmem>> -> memref<128xi32, #tpu.memory_space<vmem>>
        %dma_wait3A_84 = arith.constant 0 : i32
        %dma_wait3A_85 = arith.constant 0 : i32
        %dma_wait3A_86 = tpu.memref_slice %arg6[%dma_wait3A_84, %dma_wait3A_85] : memref<10240x128xf32, #tpu.memory_space<vmem_shared>> -> memref<10240x128xf32, #tpu.memory_space<vmem_shared>>
        tpu.wait_indirect_dma semaphore(%run_scoped3A_74 : memref<!tpu.dma_semaphore, #tpu.memory_space<semaphore_mem>>) src(%arg10 : memref<128x128xf32, #tpu.memory_space<vmem>>) dst(%dma_wait3A_86 : memref<10240x128xf32, #tpu.memory_space<vmem_shared>>)
        tpu.yield
      }) : () -> ()
      %dma_wait3A_68 = arith.constant 0 : i32
      %dma_wait3A_69 = tpu.memref_slice %arg7[%add3A_59, %dma_wait3A_68] : memref<40x128xi32, #tpu.memory_space<vmem>> -> memref<1x128xi32, #tpu.memory_space<vmem>>
      %dma_wait3A_70 = tpu.memref_squeeze %dma_wait3A_69 : memref<1x128xi32, #tpu.memory_space<vmem>> -> memref<128xi32, #tpu.memory_space<vmem>>
      %dma_wait3A_71 = arith.constant 0 : i32
      %dma_wait3A_72 = arith.constant 0 : i32
      %dma_wait3A_73 = tpu.memref_slice %arg2[%dma_wait3A_71, %dma_wait3A_72] : memref<10240x128xf32, #tpu.memory_space<hbm>> -> memref<10240x128xf32, #tpu.memory_space<hbm>>
      tpu.wait_indirect_dma semaphore(%arg11 : memref<!tpu.dma_semaphore, #tpu.memory_space<semaphore_mem>>) src(%dma_wait3A_73 : memref<10240x128xf32, #tpu.memory_space<hbm>>) dst(%arg9 : memref<128x128xf32, #tpu.memory_space<vmem>>)
    }
    %scan3A_20 = arith.constant 19 : i32
    %dma_start3A_21 = arith.constant 39 : i32
    %dma_start3A_22 = arith.constant 0 : i32
    %dma_start3A_23 = tpu.memref_slice %arg7[%dma_start3A_21, %dma_start3A_22] : memref<40x128xi32, #tpu.memory_space<vmem>> -> memref<1x128xi32, #tpu.memory_space<vmem>>
    %dma_start3A_24 = tpu.memref_squeeze %dma_start3A_23 : memref<1x128xi32, #tpu.memory_space<vmem>> -> memref<128xi32, #tpu.memory_space<vmem>>
    %dma_start3A_25 = arith.constant 0 : i32
    %dma_start3A_26 = arith.constant 0 : i32
    %dma_start3A_27 = tpu.memref_slice %arg2[%dma_start3A_25, %dma_start3A_26] : memref<10240x128xf32, #tpu.memory_space<hbm>> -> memref<10240x128xf32, #tpu.memory_space<hbm>>
    tpu.enqueue_indirect_dma source(%dma_start3A_27 : memref<10240x128xf32, #tpu.memory_space<hbm>>) target(%arg10 : memref<128x128xf32, #tpu.memory_space<vmem>>) offsets(%dma_start3A_24 : memref<128xi32, #tpu.memory_space<vmem>>) semaphore(%arg12 : memref<!tpu.dma_semaphore, #tpu.memory_space<semaphore_mem>>)
    %run_scoped3A = arith.constant 38 : i32
    "tpu.region"() ({
      %run_scoped3A_37 = tpu.sem_alloc : memref<!tpu.dma_semaphore, #tpu.memory_space<semaphore_mem>>
      %dma_start3A_38 = arith.constant 0 : i32
      %dma_start3A_39 = tpu.memref_slice %arg8[%run_scoped3A, %dma_start3A_38] : memref<40x128xi32, #tpu.memory_space<vmem>> -> memref<1x128xi32, #tpu.memory_space<vmem>>
      %dma_start3A_40 = tpu.memref_squeeze %dma_start3A_39 : memref<1x128xi32, #tpu.memory_space<vmem>> -> memref<128xi32, #tpu.memory_space<vmem>>
      %dma_start3A_41 = arith.constant 0 : i32
      %dma_start3A_42 = arith.constant 0 : i32
      %dma_start3A_43 = tpu.memref_slice %arg6[%dma_start3A_41, %dma_start3A_42] : memref<10240x128xf32, #tpu.memory_space<vmem_shared>> -> memref<10240x128xf32, #tpu.memory_space<vmem_shared>>
      tpu.enqueue_indirect_dma source(%arg9 : memref<128x128xf32, #tpu.memory_space<vmem>>) target(%dma_start3A_43 : memref<10240x128xf32, #tpu.memory_space<vmem_shared>>) offsets(%dma_start3A_40 : memref<128xi32, #tpu.memory_space<vmem>>) semaphore(%run_scoped3A_37 : memref<!tpu.dma_semaphore, #tpu.memory_space<semaphore_mem>>) {add = true}
      %dma_wait3A_44 = arith.constant 0 : i32
      %dma_wait3A_45 = tpu.memref_slice %arg8[%run_scoped3A, %dma_wait3A_44] : memref<40x128xi32, #tpu.memory_space<vmem>> -> memref<1x128xi32, #tpu.memory_space<vmem>>
      %dma_wait3A_46 = tpu.memref_squeeze %dma_wait3A_45 : memref<1x128xi32, #tpu.memory_space<vmem>> -> memref<128xi32, #tpu.memory_space<vmem>>
      %dma_wait3A_47 = arith.constant 0 : i32
      %dma_wait3A_48 = arith.constant 0 : i32
      %dma_wait3A_49 = tpu.memref_slice %arg6[%dma_wait3A_47, %dma_wait3A_48] : memref<10240x128xf32, #tpu.memory_space<vmem_shared>> -> memref<10240x128xf32, #tpu.memory_space<vmem_shared>>
      tpu.wait_indirect_dma semaphore(%run_scoped3A_37 : memref<!tpu.dma_semaphore, #tpu.memory_space<semaphore_mem>>) src(%arg9 : memref<128x128xf32, #tpu.memory_space<vmem>>) dst(%dma_wait3A_49 : memref<10240x128xf32, #tpu.memory_space<vmem_shared>>)
      tpu.yield
    }) : () -> ()
    %dma_wait3A_28 = arith.constant 39 : i32
    %dma_wait3A_29 = arith.constant 0 : i32
    %dma_wait3A_30 = tpu.memref_slice %arg7[%dma_wait3A_28, %dma_wait3A_29] : memref<40x128xi32, #tpu.memory_space<vmem>> -> memref<1x128xi32, #tpu.memory_space<vmem>>
    %dma_wait3A_31 = tpu.memref_squeeze %dma_wait3A_30 : memref<1x128xi32, #tpu.memory_space<vmem>> -> memref<128xi32, #tpu.memory_space<vmem>>
    %dma_wait3A_32 = arith.constant 0 : i32
    %dma_wait3A_33 = arith.constant 0 : i32
    %dma_wait3A_34 = tpu.memref_slice %arg2[%dma_wait3A_32, %dma_wait3A_33] : memref<10240x128xf32, #tpu.memory_space<hbm>> -> memref<10240x128xf32, #tpu.memory_space<hbm>>
    tpu.wait_indirect_dma semaphore(%arg12 : memref<!tpu.dma_semaphore, #tpu.memory_space<semaphore_mem>>) src(%dma_wait3A_34 : memref<10240x128xf32, #tpu.memory_space<hbm>>) dst(%arg10 : memref<128x128xf32, #tpu.memory_space<vmem>>)
    %run_scoped3A_35 = arith.constant 39 : i32
    "tpu.region"() ({
      %run_scoped3A_37 = tpu.sem_alloc : memref<!tpu.dma_semaphore, #tpu.memory_space<semaphore_mem>>
      %dma_start3A_38 = arith.constant 0 : i32
      %dma_start3A_39 = tpu.memref_slice %arg8[%run_scoped3A_35, %dma_start3A_38] : memref<40x128xi32, #tpu.memory_space<vmem>> -> memref<1x128xi32, #tpu.memory_space<vmem>>
      %dma_start3A_40 = tpu.memref_squeeze %dma_start3A_39 : memref<1x128xi32, #tpu.memory_space<vmem>> -> memref<128xi32, #tpu.memory_space<vmem>>
      %dma_start3A_41 = arith.constant 0 : i32
      %dma_start3A_42 = arith.constant 0 : i32
      %dma_start3A_43 = tpu.memref_slice %arg6[%dma_start3A_41, %dma_start3A_42] : memref<10240x128xf32, #tpu.memory_space<vmem_shared>> -> memref<10240x128xf32, #tpu.memory_space<vmem_shared>>
      tpu.enqueue_indirect_dma source(%arg10 : memref<128x128xf32, #tpu.memory_space<vmem>>) target(%dma_start3A_43 : memref<10240x128xf32, #tpu.memory_space<vmem_shared>>) offsets(%dma_start3A_40 : memref<128xi32, #tpu.memory_space<vmem>>) semaphore(%run_scoped3A_37 : memref<!tpu.dma_semaphore, #tpu.memory_space<semaphore_mem>>) {add = true}
      %dma_wait3A_44 = arith.constant 0 : i32
      %dma_wait3A_45 = tpu.memref_slice %arg8[%run_scoped3A_35, %dma_wait3A_44] : memref<40x128xi32, #tpu.memory_space<vmem>> -> memref<1x128xi32, #tpu.memory_space<vmem>>
      %dma_wait3A_46 = tpu.memref_squeeze %dma_wait3A_45 : memref<1x128xi32, #tpu.memory_space<vmem>> -> memref<128xi32, #tpu.memory_space<vmem>>
      %dma_wait3A_47 = arith.constant 0 : i32
      %dma_wait3A_48 = arith.constant 0 : i32
      %dma_wait3A_49 = tpu.memref_slice %arg6[%dma_wait3A_47, %dma_wait3A_48] : memref<10240x128xf32, #tpu.memory_space<vmem_shared>> -> memref<10240x128xf32, #tpu.memory_space<vmem_shared>>
      tpu.wait_indirect_dma semaphore(%run_scoped3A_37 : memref<!tpu.dma_semaphore, #tpu.memory_space<semaphore_mem>>) src(%arg10 : memref<128x128xf32, #tpu.memory_space<vmem>>) dst(%dma_wait3A_49 : memref<10240x128xf32, #tpu.memory_space<vmem_shared>>)
      tpu.yield
    }) : () -> ()
    %barrier3A_36 = arith.constant 0 : index
    tpu.barrier barrier_id(%barrier3A_36)
    "tpu.region"() ({
      %run_scoped3A_37 = tpu.sem_alloc : memref<!tpu.dma_semaphore, #tpu.memory_space<semaphore_mem>>
      %dma_start3A_38 = arith.constant 0 : i32
      %dma_start3A_39 = tpu.memref_slice %arg5[%arg0, %mul3A_0, %dma_start3A_38] : memref<2x10240x128xf32, #tpu.memory_space<hbm>> -> memref<1x640x128xf32, #tpu.memory_space<hbm>>
      %dma_start3A_40 = tpu.memref_squeeze %dma_start3A_39 : memref<1x640x128xf32, #tpu.memory_space<hbm>> -> memref<640x128xf32, #tpu.memory_space<hbm>>
      %dma_start3A_41 = arith.constant 0 : i32
      %dma_start3A_42 = tpu.memref_slice %arg6[%mul3A_0, %dma_start3A_41] : memref<10240x128xf32, #tpu.memory_space<vmem_shared>> -> memref<640x128xf32, #tpu.memory_space<vmem_shared>>
      tpu.enqueue_dma source(%dma_start3A_42 : memref<640x128xf32, #tpu.memory_space<vmem_shared>>) target(%dma_start3A_40 : memref<640x128xf32, #tpu.memory_space<hbm>>) target_semaphore(%run_scoped3A_37 : memref<!tpu.dma_semaphore, #tpu.memory_space<semaphore_mem>>)
      %dma_wait3A_43 = arith.constant 0 : i32
      %dma_wait3A_44 = tpu.memref_slice %arg5[%arg0, %mul3A_0, %dma_wait3A_43] : memref<2x10240x128xf32, #tpu.memory_space<hbm>> -> memref<1x640x128xf32, #tpu.memory_space<hbm>>
      %dma_wait3A_45 = tpu.memref_squeeze %dma_wait3A_44 : memref<1x640x128xf32, #tpu.memory_space<hbm>> -> memref<640x128xf32, #tpu.memory_space<hbm>>
      %dma_wait3A_46 = arith.constant 0 : i32
      %dma_wait3A_47 = tpu.memref_slice %arg6[%mul3A_0, %dma_wait3A_46] : memref<10240x128xf32, #tpu.memory_space<vmem_shared>> -> memref<640x128xf32, #tpu.memory_space<vmem_shared>>
      tpu.wait_dma2 semaphore(%run_scoped3A_37 : memref<!tpu.dma_semaphore, #tpu.memory_space<semaphore_mem>>) src(%dma_wait3A_47 : memref<640x128xf32, #tpu.memory_space<vmem_shared>>) dst(%dma_wait3A_45 : memref<640x128xf32, #tpu.memory_space<hbm>>)
      tpu.yield
    }) : () -> ()
    return
  }
}

#map = affine_map<(d0, d1) -> (0, 0, 0)>
#map1 = affine_map<(d0, d1) -> (0, 0)>
module attributes {stable_mosaic.version = 14 : i64} {
  func.func @k(%arg0: i32, %arg1: i32, %arg2: memref<2x10240x128xf32, #tpu.memory_space<hbm>>, %arg3: memref<1280x128xi32, #tpu.memory_space<hbm>>, %arg4: memref<1280x128xi32, #tpu.memory_space<hbm>>, %arg5: memref<2x10240x128xf32, #tpu.memory_space<hbm>>, %arg6: memref<10240x128xf32, #tpu.memory_space<vmem_shared>>, %arg7: memref<40x128xi32, #tpu.memory_space<vmem>>, %arg8: memref<40x128xi32, #tpu.memory_space<vmem>>, %arg9: memref<128x128xf32, #tpu.memory_space<vmem>>, %arg10: memref<128x128xf32, #tpu.memory_space<vmem>>, %arg11: memref<!tpu.dma_semaphore, #tpu.memory_space<semaphore_mem>>, %arg12: memref<!tpu.dma_semaphore, #tpu.memory_space<semaphore_mem>>) attributes {dimension_semantics = [#tpu.dimension_semantics<core_parallel>, #tpu.dimension_semantics<subcore_parallel>], iteration_bounds = array<i64: 2, 16>, scalar_prefetch = 0 : i64, scratch_operands = 7 : i64, tpu.core_type = #tpu.core_type<sc_vector_subcore>, window_params = [{transform_indices = #map}, {transform_indices = #map1}, {transform_indices = #map1}, {transform_indices = #map}]} {
    %mul3A = arith.constant 640 : i32
    %mul3A_0 = arith.muli %arg1, %mul3A : i32
    "tpu.region"() ({
      %run_scoped3A_107 = tpu.sem_alloc : memref<!tpu.dma_semaphore, #tpu.memory_space<semaphore_mem>>
      %dma_start3A_108 = arith.constant 0 : i32
      %dma_start3A_109 = tpu.memref_slice %arg6[%mul3A_0, %dma_start3A_108] : memref<10240x128xf32, #tpu.memory_space<vmem_shared>> -> memref<640x128xf32, #tpu.memory_space<vmem_shared>>
      %dma_start3A_110 = arith.constant 0 : i32
      %dma_start3A_111 = arith.constant 0 : i32
      %dma_start3A_112 = tpu.memref_slice %arg2[%arg0, %dma_start3A_110, %dma_start3A_111] : memref<2x10240x128xf32, #tpu.memory_space<hbm>> -> memref<1x10240x128xf32, #tpu.memory_space<hbm>>
      %dma_start3A_113 = tpu.memref_squeeze %dma_start3A_112 : memref<1x10240x128xf32, #tpu.memory_space<hbm>> -> memref<10240x128xf32, #tpu.memory_space<hbm>>
      %dma_start3A_114 = arith.constant 0 : i32
      %dma_start3A_115 = tpu.memref_slice %dma_start3A_113[%mul3A_0, %dma_start3A_114] : memref<10240x128xf32, #tpu.memory_space<hbm>> -> memref<640x128xf32, #tpu.memory_space<hbm>>
      tpu.enqueue_dma source(%dma_start3A_115 : memref<640x128xf32, #tpu.memory_space<hbm>>) target(%dma_start3A_109 : memref<640x128xf32, #tpu.memory_space<vmem_shared>>) target_semaphore(%run_scoped3A_107 : memref<!tpu.dma_semaphore, #tpu.memory_space<semaphore_mem>>)
      %dma_wait3A_116 = arith.constant 0 : i32
      %dma_wait3A_117 = tpu.memref_slice %arg6[%mul3A_0, %dma_wait3A_116] : memref<10240x128xf32, #tpu.memory_space<vmem_shared>> -> memref<640x128xf32, #tpu.memory_space<vmem_shared>>
      %dma_wait3A_118 = arith.constant 0 : i32
      %dma_wait3A_119 = arith.constant 0 : i32
      %dma_wait3A_120 = tpu.memref_slice %arg2[%arg0, %dma_wait3A_118, %dma_wait3A_119] : memref<2x10240x128xf32, #tpu.memory_space<hbm>> -> memref<1x10240x128xf32, #tpu.memory_space<hbm>>
      %dma_wait3A_121 = tpu.memref_squeeze %dma_wait3A_120 : memref<1x10240x128xf32, #tpu.memory_space<hbm>> -> memref<10240x128xf32, #tpu.memory_space<hbm>>
      %dma_wait3A_122 = arith.constant 0 : i32
      %dma_wait3A_123 = tpu.memref_slice %dma_wait3A_121[%mul3A_0, %dma_wait3A_122] : memref<10240x128xf32, #tpu.memory_space<hbm>> -> memref<640x128xf32, #tpu.memory_space<hbm>>
      tpu.wait_dma2 semaphore(%run_scoped3A_107 : memref<!tpu.dma_semaphore, #tpu.memory_space<semaphore_mem>>) src(%dma_wait3A_123 : memref<640x128xf32, #tpu.memory_space<hbm>>) dst(%dma_wait3A_117 : memref<640x128xf32, #tpu.memory_space<vmem_shared>>)
      tpu.yield
    }) : () -> ()
    %barrier3A = arith.constant 0 : index
    tpu.barrier barrier_id(%barrier3A)
    %mul3A_1 = arith.constant 80 : i32
    %mul3A_2 = arith.muli %arg1, %mul3A_1 : i32
    %add3A = arith.constant 0 : i32
    %add3A_3 = arith.addi %mul3A_2, %add3A : i32
    "tpu.region"() ({
      %run_scoped3A_107 = tpu.sem_alloc : memref<!tpu.dma_semaphore, #tpu.memory_space<semaphore_mem>>
      %dma_start3A_108 = arith.constant 0 : i32
      %dma_start3A_109 = tpu.memref_slice %arg3[%add3A_3, %dma_start3A_108] : memref<1280x128xi32, #tpu.memory_space<hbm>> -> memref<40x128xi32, #tpu.memory_space<hbm>>
      %dma_start3A_110 = arith.constant 0 : i32
      %dma_start3A_111 = tpu.memref_slice %arg3[%add3A_3, %dma_start3A_110] : memref<1280x128xi32, #tpu.memory_space<hbm>> -> memref<40x128xi32, #tpu.memory_space<hbm>>
      tpu.enqueue_dma source(%dma_start3A_111 : memref<40x128xi32, #tpu.memory_space<hbm>>) target(%arg7 : memref<40x128xi32, #tpu.memory_space<vmem>>) target_semaphore(%run_scoped3A_107 : memref<!tpu.dma_semaphore, #tpu.memory_space<semaphore_mem>>)
      %dma_wait3A_112 = arith.constant 0 : i32
      %dma_wait3A_113 = tpu.memref_slice %arg3[%add3A_3, %dma_wait3A_112] : memref<1280x128xi32, #tpu.memory_space<hbm>> -> memref<40x128xi32, #tpu.memory_space<hbm>>
      %dma_wait3A_114 = arith.constant 0 : i32
      %dma_wait3A_115 = tpu.memref_slice %arg3[%add3A_3, %dma_wait3A_114] : memref<1280x128xi32, #tpu.memory_space<hbm>> -> memref<40x128xi32, #tpu.memory_space<hbm>>
      tpu.wait_dma2 semaphore(%run_scoped3A_107 : memref<!tpu.dma_semaphore, #tpu.memory_space<semaphore_mem>>) src(%dma_wait3A_115 : memref<40x128xi32, #tpu.memory_space<hbm>>) dst(%arg7 : memref<40x128xi32, #tpu.memory_space<vmem>>)
      tpu.yield
    }) : () -> ()
    "tpu.region"() ({
      %run_scoped3A_107 = tpu.sem_alloc : memref<!tpu.dma_semaphore, #tpu.memory_space<semaphore_mem>>
      %dma_start3A_108 = arith.constant 0 : i32
      %dma_start3A_109 = tpu.memref_slice %arg4[%add3A_3, %dma_start3A_108] : memref<1280x128xi32, #tpu.memory_space<hbm>> -> memref<40x128xi32, #tpu.memory_space<hbm>>
      %dma_start3A_110 = arith.constant 0 : i32
      %dma_start3A_111 = tpu.memref_slice %arg4[%add3A_3, %dma_start3A_110] : memref<1280x128xi32, #tpu.memory_space<hbm>> -> memref<40x128xi32, #tpu.memory_space<hbm>>
      tpu.enqueue_dma source(%dma_start3A_111 : memref<40x128xi32, #tpu.memory_space<hbm>>) target(%arg8 : memref<40x128xi32, #tpu.memory_space<vmem>>) target_semaphore(%run_scoped3A_107 : memref<!tpu.dma_semaphore, #tpu.memory_space<semaphore_mem>>)
      %dma_wait3A_112 = arith.constant 0 : i32
      %dma_wait3A_113 = tpu.memref_slice %arg4[%add3A_3, %dma_wait3A_112] : memref<1280x128xi32, #tpu.memory_space<hbm>> -> memref<40x128xi32, #tpu.memory_space<hbm>>
      %dma_wait3A_114 = arith.constant 0 : i32
      %dma_wait3A_115 = tpu.memref_slice %arg4[%add3A_3, %dma_wait3A_114] : memref<1280x128xi32, #tpu.memory_space<hbm>> -> memref<40x128xi32, #tpu.memory_space<hbm>>
      tpu.wait_dma2 semaphore(%run_scoped3A_107 : memref<!tpu.dma_semaphore, #tpu.memory_space<semaphore_mem>>) src(%dma_wait3A_115 : memref<40x128xi32, #tpu.memory_space<hbm>>) dst(%arg8 : memref<40x128xi32, #tpu.memory_space<vmem>>)
      tpu.yield
    }) : () -> ()
    %dma_start3A = arith.constant 0 : i32
    %dma_start3A_4 = arith.constant 0 : i32
    %dma_start3A_5 = tpu.memref_slice %arg7[%dma_start3A, %dma_start3A_4] : memref<40x128xi32, #tpu.memory_space<vmem>> -> memref<1x128xi32, #tpu.memory_space<vmem>>
    %dma_start3A_6 = tpu.memref_squeeze %dma_start3A_5 : memref<1x128xi32, #tpu.memory_space<vmem>> -> memref<128xi32, #tpu.memory_space<vmem>>
    %dma_start3A_7 = arith.constant 0 : i32
    %dma_start3A_8 = arith.constant 0 : i32
    %dma_start3A_9 = tpu.memref_slice %arg2[%arg0, %dma_start3A_7, %dma_start3A_8] : memref<2x10240x128xf32, #tpu.memory_space<hbm>> -> memref<1x10240x128xf32, #tpu.memory_space<hbm>>
    %dma_start3A_10 = tpu.memref_squeeze %dma_start3A_9 : memref<1x10240x128xf32, #tpu.memory_space<hbm>> -> memref<10240x128xf32, #tpu.memory_space<hbm>>
    %dma_start3A_11 = arith.constant 0 : i32
    %dma_start3A_12 = arith.constant 0 : i32
    %dma_start3A_13 = tpu.memref_slice %dma_start3A_10[%dma_start3A_11, %dma_start3A_12] : memref<10240x128xf32, #tpu.memory_space<hbm>> -> memref<10240x128xf32, #tpu.memory_space<hbm>>
    tpu.enqueue_indirect_dma source(%dma_start3A_13 : memref<10240x128xf32, #tpu.memory_space<hbm>>) target(%arg9 : memref<128x128xf32, #tpu.memory_space<vmem>>) offsets(%dma_start3A_6 : memref<128xi32, #tpu.memory_space<vmem>>) semaphore(%arg11 : memref<!tpu.dma_semaphore, #tpu.memory_space<semaphore_mem>>)
    %dma_wait3A = arith.constant 0 : i32
    %dma_wait3A_14 = arith.constant 0 : i32
    %dma_wait3A_15 = tpu.memref_slice %arg7[%dma_wait3A, %dma_wait3A_14] : memref<40x128xi32, #tpu.memory_space<vmem>> -> memref<1x128xi32, #tpu.memory_space<vmem>>
    %dma_wait3A_16 = tpu.memref_squeeze %dma_wait3A_15 : memref<1x128xi32, #tpu.memory_space<vmem>> -> memref<128xi32, #tpu.memory_space<vmem>>
    %dma_wait3A_17 = arith.constant 0 : i32
    %dma_wait3A_18 = arith.constant 0 : i32
    %dma_wait3A_19 = tpu.memref_slice %arg2[%arg0, %dma_wait3A_17, %dma_wait3A_18] : memref<2x10240x128xf32, #tpu.memory_space<hbm>> -> memref<1x10240x128xf32, #tpu.memory_space<hbm>>
    %dma_wait3A_20 = tpu.memref_squeeze %dma_wait3A_19 : memref<1x10240x128xf32, #tpu.memory_space<hbm>> -> memref<10240x128xf32, #tpu.memory_space<hbm>>
    %dma_wait3A_21 = arith.constant 0 : i32
    %dma_wait3A_22 = arith.constant 0 : i32
    %dma_wait3A_23 = tpu.memref_slice %dma_wait3A_20[%dma_wait3A_21, %dma_wait3A_22] : memref<10240x128xf32, #tpu.memory_space<hbm>> -> memref<10240x128xf32, #tpu.memory_space<hbm>>
    tpu.wait_indirect_dma semaphore(%arg11 : memref<!tpu.dma_semaphore, #tpu.memory_space<semaphore_mem>>) src(%dma_wait3A_23 : memref<10240x128xf32, #tpu.memory_space<hbm>>) dst(%arg9 : memref<128x128xf32, #tpu.memory_space<vmem>>)
    %scan3A = arith.constant 0 : i32
    %scan3A_24 = arith.constant 19 : i32
    %scan3A_25 = arith.addi %scan3A, %scan3A_24 : i32
    %scan3A_26 = arith.constant 1 : i32
    scf.for %scan3A_107 = %scan3A to %scan3A_25 step %scan3A_26  : i32 {
      %mul3A_108 = arith.constant 1 : i32
      %mul3A_109 = arith.muli %scan3A_107, %mul3A_108 : i32
      %add3A_110 = arith.constant 0 : i32
      %add3A_111 = arith.addi %add3A_110, %mul3A_109 : i32
      %mul3A_112 = arith.constant 2 : i32
      %mul3A_113 = arith.muli %add3A_111, %mul3A_112 : i32
      %add3A_114 = arith.constant 1 : i32
      %add3A_115 = arith.addi %mul3A_113, %add3A_114 : i32
      %dma_start3A_116 = arith.constant 0 : i32
      %dma_start3A_117 = tpu.memref_slice %arg7[%add3A_115, %dma_start3A_116] : memref<40x128xi32, #tpu.memory_space<vmem>> -> memref<1x128xi32, #tpu.memory_space<vmem>>
      %dma_start3A_118 = tpu.memref_squeeze %dma_start3A_117 : memref<1x128xi32, #tpu.memory_space<vmem>> -> memref<128xi32, #tpu.memory_space<vmem>>
      %dma_start3A_119 = arith.constant 0 : i32
      %dma_start3A_120 = arith.constant 0 : i32
      %dma_start3A_121 = tpu.memref_slice %arg2[%arg0, %dma_start3A_119, %dma_start3A_120] : memref<2x10240x128xf32, #tpu.memory_space<hbm>> -> memref<1x10240x128xf32, #tpu.memory_space<hbm>>
      %dma_start3A_122 = tpu.memref_squeeze %dma_start3A_121 : memref<1x10240x128xf32, #tpu.memory_space<hbm>> -> memref<10240x128xf32, #tpu.memory_space<hbm>>
      %dma_start3A_123 = arith.constant 0 : i32
      %dma_start3A_124 = arith.constant 0 : i32
      %dma_start3A_125 = tpu.memref_slice %dma_start3A_122[%dma_start3A_123, %dma_start3A_124] : memref<10240x128xf32, #tpu.memory_space<hbm>> -> memref<10240x128xf32, #tpu.memory_space<hbm>>
      tpu.enqueue_indirect_dma source(%dma_start3A_125 : memref<10240x128xf32, #tpu.memory_space<hbm>>) target(%arg10 : memref<128x128xf32, #tpu.memory_space<vmem>>) offsets(%dma_start3A_118 : memref<128xi32, #tpu.memory_space<vmem>>) semaphore(%arg12 : memref<!tpu.dma_semaphore, #tpu.memory_space<semaphore_mem>>)
      "tpu.region"() ({
        %run_scoped3A_160 = tpu.sem_alloc : memref<!tpu.dma_semaphore, #tpu.memory_space<semaphore_mem>>
        %dma_start3A_161 = arith.constant 0 : i32
        %dma_start3A_162 = tpu.memref_slice %arg8[%mul3A_113, %dma_start3A_161] : memref<40x128xi32, #tpu.memory_space<vmem>> -> memref<1x128xi32, #tpu.memory_space<vmem>>
        %dma_start3A_163 = tpu.memref_squeeze %dma_start3A_162 : memref<1x128xi32, #tpu.memory_space<vmem>> -> memref<128xi32, #tpu.memory_space<vmem>>
        %dma_start3A_164 = arith.constant 0 : i32
        %dma_start3A_165 = arith.constant 0 : i32
        %dma_start3A_166 = tpu.memref_slice %arg6[%dma_start3A_164, %dma_start3A_165] : memref<10240x128xf32, #tpu.memory_space<vmem_shared>> -> memref<10240x128xf32, #tpu.memory_space<vmem_shared>>
        tpu.enqueue_indirect_dma source(%arg9 : memref<128x128xf32, #tpu.memory_space<vmem>>) target(%dma_start3A_166 : memref<10240x128xf32, #tpu.memory_space<vmem_shared>>) offsets(%dma_start3A_163 : memref<128xi32, #tpu.memory_space<vmem>>) semaphore(%run_scoped3A_160 : memref<!tpu.dma_semaphore, #tpu.memory_space<semaphore_mem>>) {add = true}
        %dma_wait3A_167 = arith.constant 0 : i32
        %dma_wait3A_168 = tpu.memref_slice %arg8[%mul3A_113, %dma_wait3A_167] : memref<40x128xi32, #tpu.memory_space<vmem>> -> memref<1x128xi32, #tpu.memory_space<vmem>>
        %dma_wait3A_169 = tpu.memref_squeeze %dma_wait3A_168 : memref<1x128xi32, #tpu.memory_space<vmem>> -> memref<128xi32, #tpu.memory_space<vmem>>
        %dma_wait3A_170 = arith.constant 0 : i32
        %dma_wait3A_171 = arith.constant 0 : i32
        %dma_wait3A_172 = tpu.memref_slice %arg6[%dma_wait3A_170, %dma_wait3A_171] : memref<10240x128xf32, #tpu.memory_space<vmem_shared>> -> memref<10240x128xf32, #tpu.memory_space<vmem_shared>>
        tpu.wait_indirect_dma semaphore(%run_scoped3A_160 : memref<!tpu.dma_semaphore, #tpu.memory_space<semaphore_mem>>) src(%arg9 : memref<128x128xf32, #tpu.memory_space<vmem>>) dst(%dma_wait3A_172 : memref<10240x128xf32, #tpu.memory_space<vmem_shared>>)
        tpu.yield
      }) : () -> ()
      %dma_wait3A_126 = arith.constant 0 : i32
      %dma_wait3A_127 = tpu.memref_slice %arg7[%add3A_115, %dma_wait3A_126] : memref<40x128xi32, #tpu.memory_space<vmem>> -> memref<1x128xi32, #tpu.memory_space<vmem>>
      %dma_wait3A_128 = tpu.memref_squeeze %dma_wait3A_127 : memref<1x128xi32, #tpu.memory_space<vmem>> -> memref<128xi32, #tpu.memory_space<vmem>>
      %dma_wait3A_129 = arith.constant 0 : i32
      %dma_wait3A_130 = arith.constant 0 : i32
      %dma_wait3A_131 = tpu.memref_slice %arg2[%arg0, %dma_wait3A_129, %dma_wait3A_130] : memref<2x10240x128xf32, #tpu.memory_space<hbm>> -> memref<1x10240x128xf32, #tpu.memory_space<hbm>>
      %dma_wait3A_132 = tpu.memref_squeeze %dma_wait3A_131 : memref<1x10240x128xf32, #tpu.memory_space<hbm>> -> memref<10240x128xf32, #tpu.memory_space<hbm>>
      %dma_wait3A_133 = arith.constant 0 : i32
      %dma_wait3A_134 = arith.constant 0 : i32
      %dma_wait3A_135 = tpu.memref_slice %dma_wait3A_132[%dma_wait3A_133, %dma_wait3A_134] : memref<10240x128xf32, #tpu.memory_space<hbm>> -> memref<10240x128xf32, #tpu.memory_space<hbm>>
      tpu.wait_indirect_dma semaphore(%arg12 : memref<!tpu.dma_semaphore, #tpu.memory_space<semaphore_mem>>) src(%dma_wait3A_135 : memref<10240x128xf32, #tpu.memory_space<hbm>>) dst(%arg10 : memref<128x128xf32, #tpu.memory_space<vmem>>)
      %add3A_136 = arith.constant 2 : i32
      %add3A_137 = arith.addi %mul3A_113, %add3A_136 : i32
      %dma_start3A_138 = arith.constant 0 : i32
      %dma_start3A_139 = tpu.memref_slice %arg7[%add3A_137, %dma_start3A_138] : memref<40x128xi32, #tpu.memory_space<vmem>> -> memref<1x128xi32, #tpu.memory_space<vmem>>
      %dma_start3A_140 = tpu.memref_squeeze %dma_start3A_139 : memref<1x128xi32, #tpu.memory_space<vmem>> -> memref<128xi32, #tpu.memory_space<vmem>>
      %dma_start3A_141 = arith.constant 0 : i32
      %dma_start3A_142 = arith.constant 0 : i32
      %dma_start3A_143 = tpu.memref_slice %arg2[%arg0, %dma_start3A_141, %dma_start3A_142] : memref<2x10240x128xf32, #tpu.memory_space<hbm>> -> memref<1x10240x128xf32, #tpu.memory_space<hbm>>
      %dma_start3A_144 = tpu.memref_squeeze %dma_start3A_143 : memref<1x10240x128xf32, #tpu.memory_space<hbm>> -> memref<10240x128xf32, #tpu.memory_space<hbm>>
      %dma_start3A_145 = arith.constant 0 : i32
      %dma_start3A_146 = arith.constant 0 : i32
      %dma_start3A_147 = tpu.memref_slice %dma_start3A_144[%dma_start3A_145, %dma_start3A_146] : memref<10240x128xf32, #tpu.memory_space<hbm>> -> memref<10240x128xf32, #tpu.memory_space<hbm>>
      tpu.enqueue_indirect_dma source(%dma_start3A_147 : memref<10240x128xf32, #tpu.memory_space<hbm>>) target(%arg9 : memref<128x128xf32, #tpu.memory_space<vmem>>) offsets(%dma_start3A_140 : memref<128xi32, #tpu.memory_space<vmem>>) semaphore(%arg11 : memref<!tpu.dma_semaphore, #tpu.memory_space<semaphore_mem>>)
      %add3A_148 = arith.constant 1 : i32
      %add3A_149 = arith.addi %mul3A_113, %add3A_148 : i32
      "tpu.region"() ({
        %run_scoped3A_160 = tpu.sem_alloc : memref<!tpu.dma_semaphore, #tpu.memory_space<semaphore_mem>>
        %dma_start3A_161 = arith.constant 0 : i32
        %dma_start3A_162 = tpu.memref_slice %arg8[%add3A_149, %dma_start3A_161] : memref<40x128xi32, #tpu.memory_space<vmem>> -> memref<1x128xi32, #tpu.memory_space<vmem>>
        %dma_start3A_163 = tpu.memref_squeeze %dma_start3A_162 : memref<1x128xi32, #tpu.memory_space<vmem>> -> memref<128xi32, #tpu.memory_space<vmem>>
        %dma_start3A_164 = arith.constant 0 : i32
        %dma_start3A_165 = arith.constant 0 : i32
        %dma_start3A_166 = tpu.memref_slice %arg6[%dma_start3A_164, %dma_start3A_165] : memref<10240x128xf32, #tpu.memory_space<vmem_shared>> -> memref<10240x128xf32, #tpu.memory_space<vmem_shared>>
        tpu.enqueue_indirect_dma source(%arg10 : memref<128x128xf32, #tpu.memory_space<vmem>>) target(%dma_start3A_166 : memref<10240x128xf32, #tpu.memory_space<vmem_shared>>) offsets(%dma_start3A_163 : memref<128xi32, #tpu.memory_space<vmem>>) semaphore(%run_scoped3A_160 : memref<!tpu.dma_semaphore, #tpu.memory_space<semaphore_mem>>) {add = true}
        %dma_wait3A_167 = arith.constant 0 : i32
        %dma_wait3A_168 = tpu.memref_slice %arg8[%add3A_149, %dma_wait3A_167] : memref<40x128xi32, #tpu.memory_space<vmem>> -> memref<1x128xi32, #tpu.memory_space<vmem>>
        %dma_wait3A_169 = tpu.memref_squeeze %dma_wait3A_168 : memref<1x128xi32, #tpu.memory_space<vmem>> -> memref<128xi32, #tpu.memory_space<vmem>>
        %dma_wait3A_170 = arith.constant 0 : i32
        %dma_wait3A_171 = arith.constant 0 : i32
        %dma_wait3A_172 = tpu.memref_slice %arg6[%dma_wait3A_170, %dma_wait3A_171] : memref<10240x128xf32, #tpu.memory_space<vmem_shared>> -> memref<10240x128xf32, #tpu.memory_space<vmem_shared>>
        tpu.wait_indirect_dma semaphore(%run_scoped3A_160 : memref<!tpu.dma_semaphore, #tpu.memory_space<semaphore_mem>>) src(%arg10 : memref<128x128xf32, #tpu.memory_space<vmem>>) dst(%dma_wait3A_172 : memref<10240x128xf32, #tpu.memory_space<vmem_shared>>)
        tpu.yield
      }) : () -> ()
      %dma_wait3A_150 = arith.constant 0 : i32
      %dma_wait3A_151 = tpu.memref_slice %arg7[%add3A_137, %dma_wait3A_150] : memref<40x128xi32, #tpu.memory_space<vmem>> -> memref<1x128xi32, #tpu.memory_space<vmem>>
      %dma_wait3A_152 = tpu.memref_squeeze %dma_wait3A_151 : memref<1x128xi32, #tpu.memory_space<vmem>> -> memref<128xi32, #tpu.memory_space<vmem>>
      %dma_wait3A_153 = arith.constant 0 : i32
      %dma_wait3A_154 = arith.constant 0 : i32
      %dma_wait3A_155 = tpu.memref_slice %arg2[%arg0, %dma_wait3A_153, %dma_wait3A_154] : memref<2x10240x128xf32, #tpu.memory_space<hbm>> -> memref<1x10240x128xf32, #tpu.memory_space<hbm>>
      %dma_wait3A_156 = tpu.memref_squeeze %dma_wait3A_155 : memref<1x10240x128xf32, #tpu.memory_space<hbm>> -> memref<10240x128xf32, #tpu.memory_space<hbm>>
      %dma_wait3A_157 = arith.constant 0 : i32
      %dma_wait3A_158 = arith.constant 0 : i32
      %dma_wait3A_159 = tpu.memref_slice %dma_wait3A_156[%dma_wait3A_157, %dma_wait3A_158] : memref<10240x128xf32, #tpu.memory_space<hbm>> -> memref<10240x128xf32, #tpu.memory_space<hbm>>
      tpu.wait_indirect_dma semaphore(%arg11 : memref<!tpu.dma_semaphore, #tpu.memory_space<semaphore_mem>>) src(%dma_wait3A_159 : memref<10240x128xf32, #tpu.memory_space<hbm>>) dst(%arg9 : memref<128x128xf32, #tpu.memory_space<vmem>>)
    }
    %scan3A_27 = arith.constant 19 : i32
    %dma_start3A_28 = arith.constant 39 : i32
    %dma_start3A_29 = arith.constant 0 : i32
    %dma_start3A_30 = tpu.memref_slice %arg7[%dma_start3A_28, %dma_start3A_29] : memref<40x128xi32, #tpu.memory_space<vmem>> -> memref<1x128xi32, #tpu.memory_space<vmem>>
    %dma_start3A_31 = tpu.memref_squeeze %dma_start3A_30 : memref<1x128xi32, #tpu.memory_space<vmem>> -> memref<128xi32, #tpu.memory_space<vmem>>
    %dma_start3A_32 = arith.constant 0 : i32
    %dma_start3A_33 = arith.constant 0 : i32
    %dma_start3A_34 = tpu.memref_slice %arg2[%arg0, %dma_start3A_32, %dma_start3A_33] : memref<2x10240x128xf32, #tpu.memory_space<hbm>> -> memref<1x10240x128xf32, #tpu.memory_space<hbm>>
    %dma_start3A_35 = tpu.memref_squeeze %dma_start3A_34 : memref<1x10240x128xf32, #tpu.memory_space<hbm>> -> memref<10240x128xf32, #tpu.memory_space<hbm>>
    %dma_start3A_36 = arith.constant 0 : i32
    %dma_start3A_37 = arith.constant 0 : i32
    %dma_start3A_38 = tpu.memref_slice %dma_start3A_35[%dma_start3A_36, %dma_start3A_37] : memref<10240x128xf32, #tpu.memory_space<hbm>> -> memref<10240x128xf32, #tpu.memory_space<hbm>>
    tpu.enqueue_indirect_dma source(%dma_start3A_38 : memref<10240x128xf32, #tpu.memory_space<hbm>>) target(%arg10 : memref<128x128xf32, #tpu.memory_space<vmem>>) offsets(%dma_start3A_31 : memref<128xi32, #tpu.memory_space<vmem>>) semaphore(%arg12 : memref<!tpu.dma_semaphore, #tpu.memory_space<semaphore_mem>>)
    %run_scoped3A = arith.constant 38 : i32
    "tpu.region"() ({
      %run_scoped3A_107 = tpu.sem_alloc : memref<!tpu.dma_semaphore, #tpu.memory_space<semaphore_mem>>
      %dma_start3A_108 = arith.constant 0 : i32
      %dma_start3A_109 = tpu.memref_slice %arg8[%run_scoped3A, %dma_start3A_108] : memref<40x128xi32, #tpu.memory_space<vmem>> -> memref<1x128xi32, #tpu.memory_space<vmem>>
      %dma_start3A_110 = tpu.memref_squeeze %dma_start3A_109 : memref<1x128xi32, #tpu.memory_space<vmem>> -> memref<128xi32, #tpu.memory_space<vmem>>
      %dma_start3A_111 = arith.constant 0 : i32
      %dma_start3A_112 = arith.constant 0 : i32
      %dma_start3A_113 = tpu.memref_slice %arg6[%dma_start3A_111, %dma_start3A_112] : memref<10240x128xf32, #tpu.memory_space<vmem_shared>> -> memref<10240x128xf32, #tpu.memory_space<vmem_shared>>
      tpu.enqueue_indirect_dma source(%arg9 : memref<128x128xf32, #tpu.memory_space<vmem>>) target(%dma_start3A_113 : memref<10240x128xf32, #tpu.memory_space<vmem_shared>>) offsets(%dma_start3A_110 : memref<128xi32, #tpu.memory_space<vmem>>) semaphore(%run_scoped3A_107 : memref<!tpu.dma_semaphore, #tpu.memory_space<semaphore_mem>>) {add = true}
      %dma_wait3A_114 = arith.constant 0 : i32
      %dma_wait3A_115 = tpu.memref_slice %arg8[%run_scoped3A, %dma_wait3A_114] : memref<40x128xi32, #tpu.memory_space<vmem>> -> memref<1x128xi32, #tpu.memory_space<vmem>>
      %dma_wait3A_116 = tpu.memref_squeeze %dma_wait3A_115 : memref<1x128xi32, #tpu.memory_space<vmem>> -> memref<128xi32, #tpu.memory_space<vmem>>
      %dma_wait3A_117 = arith.constant 0 : i32
      %dma_wait3A_118 = arith.constant 0 : i32
      %dma_wait3A_119 = tpu.memref_slice %arg6[%dma_wait3A_117, %dma_wait3A_118] : memref<10240x128xf32, #tpu.memory_space<vmem_shared>> -> memref<10240x128xf32, #tpu.memory_space<vmem_shared>>
      tpu.wait_indirect_dma semaphore(%run_scoped3A_107 : memref<!tpu.dma_semaphore, #tpu.memory_space<semaphore_mem>>) src(%arg9 : memref<128x128xf32, #tpu.memory_space<vmem>>) dst(%dma_wait3A_119 : memref<10240x128xf32, #tpu.memory_space<vmem_shared>>)
      tpu.yield
    }) : () -> ()
    %dma_wait3A_39 = arith.constant 39 : i32
    %dma_wait3A_40 = arith.constant 0 : i32
    %dma_wait3A_41 = tpu.memref_slice %arg7[%dma_wait3A_39, %dma_wait3A_40] : memref<40x128xi32, #tpu.memory_space<vmem>> -> memref<1x128xi32, #tpu.memory_space<vmem>>
    %dma_wait3A_42 = tpu.memref_squeeze %dma_wait3A_41 : memref<1x128xi32, #tpu.memory_space<vmem>> -> memref<128xi32, #tpu.memory_space<vmem>>
    %dma_wait3A_43 = arith.constant 0 : i32
    %dma_wait3A_44 = arith.constant 0 : i32
    %dma_wait3A_45 = tpu.memref_slice %arg2[%arg0, %dma_wait3A_43, %dma_wait3A_44] : memref<2x10240x128xf32, #tpu.memory_space<hbm>> -> memref<1x10240x128xf32, #tpu.memory_space<hbm>>
    %dma_wait3A_46 = tpu.memref_squeeze %dma_wait3A_45 : memref<1x10240x128xf32, #tpu.memory_space<hbm>> -> memref<10240x128xf32, #tpu.memory_space<hbm>>
    %dma_wait3A_47 = arith.constant 0 : i32
    %dma_wait3A_48 = arith.constant 0 : i32
    %dma_wait3A_49 = tpu.memref_slice %dma_wait3A_46[%dma_wait3A_47, %dma_wait3A_48] : memref<10240x128xf32, #tpu.memory_space<hbm>> -> memref<10240x128xf32, #tpu.memory_space<hbm>>
    tpu.wait_indirect_dma semaphore(%arg12 : memref<!tpu.dma_semaphore, #tpu.memory_space<semaphore_mem>>) src(%dma_wait3A_49 : memref<10240x128xf32, #tpu.memory_space<hbm>>) dst(%arg10 : memref<128x128xf32, #tpu.memory_space<vmem>>)
    %run_scoped3A_50 = arith.constant 39 : i32
    "tpu.region"() ({
      %run_scoped3A_107 = tpu.sem_alloc : memref<!tpu.dma_semaphore, #tpu.memory_space<semaphore_mem>>
      %dma_start3A_108 = arith.constant 0 : i32
      %dma_start3A_109 = tpu.memref_slice %arg8[%run_scoped3A_50, %dma_start3A_108] : memref<40x128xi32, #tpu.memory_space<vmem>> -> memref<1x128xi32, #tpu.memory_space<vmem>>
      %dma_start3A_110 = tpu.memref_squeeze %dma_start3A_109 : memref<1x128xi32, #tpu.memory_space<vmem>> -> memref<128xi32, #tpu.memory_space<vmem>>
      %dma_start3A_111 = arith.constant 0 : i32
      %dma_start3A_112 = arith.constant 0 : i32
      %dma_start3A_113 = tpu.memref_slice %arg6[%dma_start3A_111, %dma_start3A_112] : memref<10240x128xf32, #tpu.memory_space<vmem_shared>> -> memref<10240x128xf32, #tpu.memory_space<vmem_shared>>
      tpu.enqueue_indirect_dma source(%arg10 : memref<128x128xf32, #tpu.memory_space<vmem>>) target(%dma_start3A_113 : memref<10240x128xf32, #tpu.memory_space<vmem_shared>>) offsets(%dma_start3A_110 : memref<128xi32, #tpu.memory_space<vmem>>) semaphore(%run_scoped3A_107 : memref<!tpu.dma_semaphore, #tpu.memory_space<semaphore_mem>>) {add = true}
      %dma_wait3A_114 = arith.constant 0 : i32
      %dma_wait3A_115 = tpu.memref_slice %arg8[%run_scoped3A_50, %dma_wait3A_114] : memref<40x128xi32, #tpu.memory_space<vmem>> -> memref<1x128xi32, #tpu.memory_space<vmem>>
      %dma_wait3A_116 = tpu.memref_squeeze %dma_wait3A_115 : memref<1x128xi32, #tpu.memory_space<vmem>> -> memref<128xi32, #tpu.memory_space<vmem>>
      %dma_wait3A_117 = arith.constant 0 : i32
      %dma_wait3A_118 = arith.constant 0 : i32
      %dma_wait3A_119 = tpu.memref_slice %arg6[%dma_wait3A_117, %dma_wait3A_118] : memref<10240x128xf32, #tpu.memory_space<vmem_shared>> -> memref<10240x128xf32, #tpu.memory_space<vmem_shared>>
      tpu.wait_indirect_dma semaphore(%run_scoped3A_107 : memref<!tpu.dma_semaphore, #tpu.memory_space<semaphore_mem>>) src(%arg10 : memref<128x128xf32, #tpu.memory_space<vmem>>) dst(%dma_wait3A_119 : memref<10240x128xf32, #tpu.memory_space<vmem_shared>>)
      tpu.yield
    }) : () -> ()
    %mul3A_51 = arith.constant 80 : i32
    %mul3A_52 = arith.muli %arg1, %mul3A_51 : i32
    %add3A_53 = arith.constant 40 : i32
    %add3A_54 = arith.addi %mul3A_52, %add3A_53 : i32
    "tpu.region"() ({
      %run_scoped3A_107 = tpu.sem_alloc : memref<!tpu.dma_semaphore, #tpu.memory_space<semaphore_mem>>
      %dma_start3A_108 = arith.constant 0 : i32
      %dma_start3A_109 = tpu.memref_slice %arg3[%add3A_54, %dma_start3A_108] : memref<1280x128xi32, #tpu.memory_space<hbm>> -> memref<40x128xi32, #tpu.memory_space<hbm>>
      %dma_start3A_110 = arith.constant 0 : i32
      %dma_start3A_111 = tpu.memref_slice %arg3[%add3A_54, %dma_start3A_110] : memref<1280x128xi32, #tpu.memory_space<hbm>> -> memref<40x128xi32, #tpu.memory_space<hbm>>
      tpu.enqueue_dma source(%dma_start3A_111 : memref<40x128xi32, #tpu.memory_space<hbm>>) target(%arg7 : memref<40x128xi32, #tpu.memory_space<vmem>>) target_semaphore(%run_scoped3A_107 : memref<!tpu.dma_semaphore, #tpu.memory_space<semaphore_mem>>)
      %dma_wait3A_112 = arith.constant 0 : i32
      %dma_wait3A_113 = tpu.memref_slice %arg3[%add3A_54, %dma_wait3A_112] : memref<1280x128xi32, #tpu.memory_space<hbm>> -> memref<40x128xi32, #tpu.memory_space<hbm>>
      %dma_wait3A_114 = arith.constant 0 : i32
      %dma_wait3A_115 = tpu.memref_slice %arg3[%add3A_54, %dma_wait3A_114] : memref<1280x128xi32, #tpu.memory_space<hbm>> -> memref<40x128xi32, #tpu.memory_space<hbm>>
      tpu.wait_dma2 semaphore(%run_scoped3A_107 : memref<!tpu.dma_semaphore, #tpu.memory_space<semaphore_mem>>) src(%dma_wait3A_115 : memref<40x128xi32, #tpu.memory_space<hbm>>) dst(%arg7 : memref<40x128xi32, #tpu.memory_space<vmem>>)
      tpu.yield
    }) : () -> ()
    "tpu.region"() ({
      %run_scoped3A_107 = tpu.sem_alloc : memref<!tpu.dma_semaphore, #tpu.memory_space<semaphore_mem>>
      %dma_start3A_108 = arith.constant 0 : i32
      %dma_start3A_109 = tpu.memref_slice %arg4[%add3A_54, %dma_start3A_108] : memref<1280x128xi32, #tpu.memory_space<hbm>> -> memref<40x128xi32, #tpu.memory_space<hbm>>
      %dma_start3A_110 = arith.constant 0 : i32
      %dma_start3A_111 = tpu.memref_slice %arg4[%add3A_54, %dma_start3A_110] : memref<1280x128xi32, #tpu.memory_space<hbm>> -> memref<40x128xi32, #tpu.memory_space<hbm>>
      tpu.enqueue_dma source(%dma_start3A_111 : memref<40x128xi32, #tpu.memory_space<hbm>>) target(%arg8 : memref<40x128xi32, #tpu.memory_space<vmem>>) target_semaphore(%run_scoped3A_107 : memref<!tpu.dma_semaphore, #tpu.memory_space<semaphore_mem>>)
      %dma_wait3A_112 = arith.constant 0 : i32
      %dma_wait3A_113 = tpu.memref_slice %arg4[%add3A_54, %dma_wait3A_112] : memref<1280x128xi32, #tpu.memory_space<hbm>> -> memref<40x128xi32, #tpu.memory_space<hbm>>
      %dma_wait3A_114 = arith.constant 0 : i32
      %dma_wait3A_115 = tpu.memref_slice %arg4[%add3A_54, %dma_wait3A_114] : memref<1280x128xi32, #tpu.memory_space<hbm>> -> memref<40x128xi32, #tpu.memory_space<hbm>>
      tpu.wait_dma2 semaphore(%run_scoped3A_107 : memref<!tpu.dma_semaphore, #tpu.memory_space<semaphore_mem>>) src(%dma_wait3A_115 : memref<40x128xi32, #tpu.memory_space<hbm>>) dst(%arg8 : memref<40x128xi32, #tpu.memory_space<vmem>>)
      tpu.yield
    }) : () -> ()
    %dma_start3A_55 = arith.constant 0 : i32
    %dma_start3A_56 = arith.constant 0 : i32
    %dma_start3A_57 = tpu.memref_slice %arg7[%dma_start3A_55, %dma_start3A_56] : memref<40x128xi32, #tpu.memory_space<vmem>> -> memref<1x128xi32, #tpu.memory_space<vmem>>
    %dma_start3A_58 = tpu.memref_squeeze %dma_start3A_57 : memref<1x128xi32, #tpu.memory_space<vmem>> -> memref<128xi32, #tpu.memory_space<vmem>>
    %dma_start3A_59 = arith.constant 0 : i32
    %dma_start3A_60 = arith.constant 0 : i32
    %dma_start3A_61 = tpu.memref_slice %arg2[%arg0, %dma_start3A_59, %dma_start3A_60] : memref<2x10240x128xf32, #tpu.memory_space<hbm>> -> memref<1x10240x128xf32, #tpu.memory_space<hbm>>
    %dma_start3A_62 = tpu.memref_squeeze %dma_start3A_61 : memref<1x10240x128xf32, #tpu.memory_space<hbm>> -> memref<10240x128xf32, #tpu.memory_space<hbm>>
    %dma_start3A_63 = arith.constant 0 : i32
    %dma_start3A_64 = arith.constant 0 : i32
    %dma_start3A_65 = tpu.memref_slice %dma_start3A_62[%dma_start3A_63, %dma_start3A_64] : memref<10240x128xf32, #tpu.memory_space<hbm>> -> memref<10240x128xf32, #tpu.memory_space<hbm>>
    tpu.enqueue_indirect_dma source(%dma_start3A_65 : memref<10240x128xf32, #tpu.memory_space<hbm>>) target(%arg9 : memref<128x128xf32, #tpu.memory_space<vmem>>) offsets(%dma_start3A_58 : memref<128xi32, #tpu.memory_space<vmem>>) semaphore(%arg11 : memref<!tpu.dma_semaphore, #tpu.memory_space<semaphore_mem>>)
    %dma_wait3A_66 = arith.constant 0 : i32
    %dma_wait3A_67 = arith.constant 0 : i32
    %dma_wait3A_68 = tpu.memref_slice %arg7[%dma_wait3A_66, %dma_wait3A_67] : memref<40x128xi32, #tpu.memory_space<vmem>> -> memref<1x128xi32, #tpu.memory_space<vmem>>
    %dma_wait3A_69 = tpu.memref_squeeze %dma_wait3A_68 : memref<1x128xi32, #tpu.memory_space<vmem>> -> memref<128xi32, #tpu.memory_space<vmem>>
    %dma_wait3A_70 = arith.constant 0 : i32
    %dma_wait3A_71 = arith.constant 0 : i32
    %dma_wait3A_72 = tpu.memref_slice %arg2[%arg0, %dma_wait3A_70, %dma_wait3A_71] : memref<2x10240x128xf32, #tpu.memory_space<hbm>> -> memref<1x10240x128xf32, #tpu.memory_space<hbm>>
    %dma_wait3A_73 = tpu.memref_squeeze %dma_wait3A_72 : memref<1x10240x128xf32, #tpu.memory_space<hbm>> -> memref<10240x128xf32, #tpu.memory_space<hbm>>
    %dma_wait3A_74 = arith.constant 0 : i32
    %dma_wait3A_75 = arith.constant 0 : i32
    %dma_wait3A_76 = tpu.memref_slice %dma_wait3A_73[%dma_wait3A_74, %dma_wait3A_75] : memref<10240x128xf32, #tpu.memory_space<hbm>> -> memref<10240x128xf32, #tpu.memory_space<hbm>>
    tpu.wait_indirect_dma semaphore(%arg11 : memref<!tpu.dma_semaphore, #tpu.memory_space<semaphore_mem>>) src(%dma_wait3A_76 : memref<10240x128xf32, #tpu.memory_space<hbm>>) dst(%arg9 : memref<128x128xf32, #tpu.memory_space<vmem>>)
    %scan3A_77 = arith.constant 0 : i32
    %scan3A_78 = arith.constant 19 : i32
    %scan3A_79 = arith.addi %scan3A_77, %scan3A_78 : i32
    %scan3A_80 = arith.constant 1 : i32
    scf.for %scan3A_107 = %scan3A_77 to %scan3A_79 step %scan3A_80  : i32 {
      %mul3A_108 = arith.constant 1 : i32
      %mul3A_109 = arith.muli %scan3A_107, %mul3A_108 : i32
      %add3A_110 = arith.constant 0 : i32
      %add3A_111 = arith.addi %add3A_110, %mul3A_109 : i32
      %mul3A_112 = arith.constant 2 : i32
      %mul3A_113 = arith.muli %add3A_111, %mul3A_112 : i32
      %add3A_114 = arith.constant 1 : i32
      %add3A_115 = arith.addi %mul3A_113, %add3A_114 : i32
      %dma_start3A_116 = arith.constant 0 : i32
      %dma_start3A_117 = tpu.memref_slice %arg7[%add3A_115, %dma_start3A_116] : memref<40x128xi32, #tpu.memory_space<vmem>> -> memref<1x128xi32, #tpu.memory_space<vmem>>
      %dma_start3A_118 = tpu.memref_squeeze %dma_start3A_117 : memref<1x128xi32, #tpu.memory_space<vmem>> -> memref<128xi32, #tpu.memory_space<vmem>>
      %dma_start3A_119 = arith.constant 0 : i32
      %dma_start3A_120 = arith.constant 0 : i32
      %dma_start3A_121 = tpu.memref_slice %arg2[%arg0, %dma_start3A_119, %dma_start3A_120] : memref<2x10240x128xf32, #tpu.memory_space<hbm>> -> memref<1x10240x128xf32, #tpu.memory_space<hbm>>
      %dma_start3A_122 = tpu.memref_squeeze %dma_start3A_121 : memref<1x10240x128xf32, #tpu.memory_space<hbm>> -> memref<10240x128xf32, #tpu.memory_space<hbm>>
      %dma_start3A_123 = arith.constant 0 : i32
      %dma_start3A_124 = arith.constant 0 : i32
      %dma_start3A_125 = tpu.memref_slice %dma_start3A_122[%dma_start3A_123, %dma_start3A_124] : memref<10240x128xf32, #tpu.memory_space<hbm>> -> memref<10240x128xf32, #tpu.memory_space<hbm>>
      tpu.enqueue_indirect_dma source(%dma_start3A_125 : memref<10240x128xf32, #tpu.memory_space<hbm>>) target(%arg10 : memref<128x128xf32, #tpu.memory_space<vmem>>) offsets(%dma_start3A_118 : memref<128xi32, #tpu.memory_space<vmem>>) semaphore(%arg12 : memref<!tpu.dma_semaphore, #tpu.memory_space<semaphore_mem>>)
      "tpu.region"() ({
        %run_scoped3A_160 = tpu.sem_alloc : memref<!tpu.dma_semaphore, #tpu.memory_space<semaphore_mem>>
        %dma_start3A_161 = arith.constant 0 : i32
        %dma_start3A_162 = tpu.memref_slice %arg8[%mul3A_113, %dma_start3A_161] : memref<40x128xi32, #tpu.memory_space<vmem>> -> memref<1x128xi32, #tpu.memory_space<vmem>>
        %dma_start3A_163 = tpu.memref_squeeze %dma_start3A_162 : memref<1x128xi32, #tpu.memory_space<vmem>> -> memref<128xi32, #tpu.memory_space<vmem>>
        %dma_start3A_164 = arith.constant 0 : i32
        %dma_start3A_165 = arith.constant 0 : i32
        %dma_start3A_166 = tpu.memref_slice %arg6[%dma_start3A_164, %dma_start3A_165] : memref<10240x128xf32, #tpu.memory_space<vmem_shared>> -> memref<10240x128xf32, #tpu.memory_space<vmem_shared>>
        tpu.enqueue_indirect_dma source(%arg9 : memref<128x128xf32, #tpu.memory_space<vmem>>) target(%dma_start3A_166 : memref<10240x128xf32, #tpu.memory_space<vmem_shared>>) offsets(%dma_start3A_163 : memref<128xi32, #tpu.memory_space<vmem>>) semaphore(%run_scoped3A_160 : memref<!tpu.dma_semaphore, #tpu.memory_space<semaphore_mem>>) {add = true}
        %dma_wait3A_167 = arith.constant 0 : i32
        %dma_wait3A_168 = tpu.memref_slice %arg8[%mul3A_113, %dma_wait3A_167] : memref<40x128xi32, #tpu.memory_space<vmem>> -> memref<1x128xi32, #tpu.memory_space<vmem>>
        %dma_wait3A_169 = tpu.memref_squeeze %dma_wait3A_168 : memref<1x128xi32, #tpu.memory_space<vmem>> -> memref<128xi32, #tpu.memory_space<vmem>>
        %dma_wait3A_170 = arith.constant 0 : i32
        %dma_wait3A_171 = arith.constant 0 : i32
        %dma_wait3A_172 = tpu.memref_slice %arg6[%dma_wait3A_170, %dma_wait3A_171] : memref<10240x128xf32, #tpu.memory_space<vmem_shared>> -> memref<10240x128xf32, #tpu.memory_space<vmem_shared>>
        tpu.wait_indirect_dma semaphore(%run_scoped3A_160 : memref<!tpu.dma_semaphore, #tpu.memory_space<semaphore_mem>>) src(%arg9 : memref<128x128xf32, #tpu.memory_space<vmem>>) dst(%dma_wait3A_172 : memref<10240x128xf32, #tpu.memory_space<vmem_shared>>)
        tpu.yield
      }) : () -> ()
      %dma_wait3A_126 = arith.constant 0 : i32
      %dma_wait3A_127 = tpu.memref_slice %arg7[%add3A_115, %dma_wait3A_126] : memref<40x128xi32, #tpu.memory_space<vmem>> -> memref<1x128xi32, #tpu.memory_space<vmem>>
      %dma_wait3A_128 = tpu.memref_squeeze %dma_wait3A_127 : memref<1x128xi32, #tpu.memory_space<vmem>> -> memref<128xi32, #tpu.memory_space<vmem>>
      %dma_wait3A_129 = arith.constant 0 : i32
      %dma_wait3A_130 = arith.constant 0 : i32
      %dma_wait3A_131 = tpu.memref_slice %arg2[%arg0, %dma_wait3A_129, %dma_wait3A_130] : memref<2x10240x128xf32, #tpu.memory_space<hbm>> -> memref<1x10240x128xf32, #tpu.memory_space<hbm>>
      %dma_wait3A_132 = tpu.memref_squeeze %dma_wait3A_131 : memref<1x10240x128xf32, #tpu.memory_space<hbm>> -> memref<10240x128xf32, #tpu.memory_space<hbm>>
      %dma_wait3A_133 = arith.constant 0 : i32
      %dma_wait3A_134 = arith.constant 0 : i32
      %dma_wait3A_135 = tpu.memref_slice %dma_wait3A_132[%dma_wait3A_133, %dma_wait3A_134] : memref<10240x128xf32, #tpu.memory_space<hbm>> -> memref<10240x128xf32, #tpu.memory_space<hbm>>
      tpu.wait_indirect_dma semaphore(%arg12 : memref<!tpu.dma_semaphore, #tpu.memory_space<semaphore_mem>>) src(%dma_wait3A_135 : memref<10240x128xf32, #tpu.memory_space<hbm>>) dst(%arg10 : memref<128x128xf32, #tpu.memory_space<vmem>>)
      %add3A_136 = arith.constant 2 : i32
      %add3A_137 = arith.addi %mul3A_113, %add3A_136 : i32
      %dma_start3A_138 = arith.constant 0 : i32
      %dma_start3A_139 = tpu.memref_slice %arg7[%add3A_137, %dma_start3A_138] : memref<40x128xi32, #tpu.memory_space<vmem>> -> memref<1x128xi32, #tpu.memory_space<vmem>>
      %dma_start3A_140 = tpu.memref_squeeze %dma_start3A_139 : memref<1x128xi32, #tpu.memory_space<vmem>> -> memref<128xi32, #tpu.memory_space<vmem>>
      %dma_start3A_141 = arith.constant 0 : i32
      %dma_start3A_142 = arith.constant 0 : i32
      %dma_start3A_143 = tpu.memref_slice %arg2[%arg0, %dma_start3A_141, %dma_start3A_142] : memref<2x10240x128xf32, #tpu.memory_space<hbm>> -> memref<1x10240x128xf32, #tpu.memory_space<hbm>>
      %dma_start3A_144 = tpu.memref_squeeze %dma_start3A_143 : memref<1x10240x128xf32, #tpu.memory_space<hbm>> -> memref<10240x128xf32, #tpu.memory_space<hbm>>
      %dma_start3A_145 = arith.constant 0 : i32
      %dma_start3A_146 = arith.constant 0 : i32
      %dma_start3A_147 = tpu.memref_slice %dma_start3A_144[%dma_start3A_145, %dma_start3A_146] : memref<10240x128xf32, #tpu.memory_space<hbm>> -> memref<10240x128xf32, #tpu.memory_space<hbm>>
      tpu.enqueue_indirect_dma source(%dma_start3A_147 : memref<10240x128xf32, #tpu.memory_space<hbm>>) target(%arg9 : memref<128x128xf32, #tpu.memory_space<vmem>>) offsets(%dma_start3A_140 : memref<128xi32, #tpu.memory_space<vmem>>) semaphore(%arg11 : memref<!tpu.dma_semaphore, #tpu.memory_space<semaphore_mem>>)
      %add3A_148 = arith.constant 1 : i32
      %add3A_149 = arith.addi %mul3A_113, %add3A_148 : i32
      "tpu.region"() ({
        %run_scoped3A_160 = tpu.sem_alloc : memref<!tpu.dma_semaphore, #tpu.memory_space<semaphore_mem>>
        %dma_start3A_161 = arith.constant 0 : i32
        %dma_start3A_162 = tpu.memref_slice %arg8[%add3A_149, %dma_start3A_161] : memref<40x128xi32, #tpu.memory_space<vmem>> -> memref<1x128xi32, #tpu.memory_space<vmem>>
        %dma_start3A_163 = tpu.memref_squeeze %dma_start3A_162 : memref<1x128xi32, #tpu.memory_space<vmem>> -> memref<128xi32, #tpu.memory_space<vmem>>
        %dma_start3A_164 = arith.constant 0 : i32
        %dma_start3A_165 = arith.constant 0 : i32
        %dma_start3A_166 = tpu.memref_slice %arg6[%dma_start3A_164, %dma_start3A_165] : memref<10240x128xf32, #tpu.memory_space<vmem_shared>> -> memref<10240x128xf32, #tpu.memory_space<vmem_shared>>
        tpu.enqueue_indirect_dma source(%arg10 : memref<128x128xf32, #tpu.memory_space<vmem>>) target(%dma_start3A_166 : memref<10240x128xf32, #tpu.memory_space<vmem_shared>>) offsets(%dma_start3A_163 : memref<128xi32, #tpu.memory_space<vmem>>) semaphore(%run_scoped3A_160 : memref<!tpu.dma_semaphore, #tpu.memory_space<semaphore_mem>>) {add = true}
        %dma_wait3A_167 = arith.constant 0 : i32
        %dma_wait3A_168 = tpu.memref_slice %arg8[%add3A_149, %dma_wait3A_167] : memref<40x128xi32, #tpu.memory_space<vmem>> -> memref<1x128xi32, #tpu.memory_space<vmem>>
        %dma_wait3A_169 = tpu.memref_squeeze %dma_wait3A_168 : memref<1x128xi32, #tpu.memory_space<vmem>> -> memref<128xi32, #tpu.memory_space<vmem>>
        %dma_wait3A_170 = arith.constant 0 : i32
        %dma_wait3A_171 = arith.constant 0 : i32
        %dma_wait3A_172 = tpu.memref_slice %arg6[%dma_wait3A_170, %dma_wait3A_171] : memref<10240x128xf32, #tpu.memory_space<vmem_shared>> -> memref<10240x128xf32, #tpu.memory_space<vmem_shared>>
        tpu.wait_indirect_dma semaphore(%run_scoped3A_160 : memref<!tpu.dma_semaphore, #tpu.memory_space<semaphore_mem>>) src(%arg10 : memref<128x128xf32, #tpu.memory_space<vmem>>) dst(%dma_wait3A_172 : memref<10240x128xf32, #tpu.memory_space<vmem_shared>>)
        tpu.yield
      }) : () -> ()
      %dma_wait3A_150 = arith.constant 0 : i32
      %dma_wait3A_151 = tpu.memref_slice %arg7[%add3A_137, %dma_wait3A_150] : memref<40x128xi32, #tpu.memory_space<vmem>> -> memref<1x128xi32, #tpu.memory_space<vmem>>
      %dma_wait3A_152 = tpu.memref_squeeze %dma_wait3A_151 : memref<1x128xi32, #tpu.memory_space<vmem>> -> memref<128xi32, #tpu.memory_space<vmem>>
      %dma_wait3A_153 = arith.constant 0 : i32
      %dma_wait3A_154 = arith.constant 0 : i32
      %dma_wait3A_155 = tpu.memref_slice %arg2[%arg0, %dma_wait3A_153, %dma_wait3A_154] : memref<2x10240x128xf32, #tpu.memory_space<hbm>> -> memref<1x10240x128xf32, #tpu.memory_space<hbm>>
      %dma_wait3A_156 = tpu.memref_squeeze %dma_wait3A_155 : memref<1x10240x128xf32, #tpu.memory_space<hbm>> -> memref<10240x128xf32, #tpu.memory_space<hbm>>
      %dma_wait3A_157 = arith.constant 0 : i32
      %dma_wait3A_158 = arith.constant 0 : i32
      %dma_wait3A_159 = tpu.memref_slice %dma_wait3A_156[%dma_wait3A_157, %dma_wait3A_158] : memref<10240x128xf32, #tpu.memory_space<hbm>> -> memref<10240x128xf32, #tpu.memory_space<hbm>>
      tpu.wait_indirect_dma semaphore(%arg11 : memref<!tpu.dma_semaphore, #tpu.memory_space<semaphore_mem>>) src(%dma_wait3A_159 : memref<10240x128xf32, #tpu.memory_space<hbm>>) dst(%arg9 : memref<128x128xf32, #tpu.memory_space<vmem>>)
    }
    %scan3A_81 = arith.constant 19 : i32
    %dma_start3A_82 = arith.constant 39 : i32
    %dma_start3A_83 = arith.constant 0 : i32
    %dma_start3A_84 = tpu.memref_slice %arg7[%dma_start3A_82, %dma_start3A_83] : memref<40x128xi32, #tpu.memory_space<vmem>> -> memref<1x128xi32, #tpu.memory_space<vmem>>
    %dma_start3A_85 = tpu.memref_squeeze %dma_start3A_84 : memref<1x128xi32, #tpu.memory_space<vmem>> -> memref<128xi32, #tpu.memory_space<vmem>>
    %dma_start3A_86 = arith.constant 0 : i32
    %dma_start3A_87 = arith.constant 0 : i32
    %dma_start3A_88 = tpu.memref_slice %arg2[%arg0, %dma_start3A_86, %dma_start3A_87] : memref<2x10240x128xf32, #tpu.memory_space<hbm>> -> memref<1x10240x128xf32, #tpu.memory_space<hbm>>
    %dma_start3A_89 = tpu.memref_squeeze %dma_start3A_88 : memref<1x10240x128xf32, #tpu.memory_space<hbm>> -> memref<10240x128xf32, #tpu.memory_space<hbm>>
    %dma_start3A_90 = arith.constant 0 : i32
    %dma_start3A_91 = arith.constant 0 : i32
    %dma_start3A_92 = tpu.memref_slice %dma_start3A_89[%dma_start3A_90, %dma_start3A_91] : memref<10240x128xf32, #tpu.memory_space<hbm>> -> memref<10240x128xf32, #tpu.memory_space<hbm>>
    tpu.enqueue_indirect_dma source(%dma_start3A_92 : memref<10240x128xf32, #tpu.memory_space<hbm>>) target(%arg10 : memref<128x128xf32, #tpu.memory_space<vmem>>) offsets(%dma_start3A_85 : memref<128xi32, #tpu.memory_space<vmem>>) semaphore(%arg12 : memref<!tpu.dma_semaphore, #tpu.memory_space<semaphore_mem>>)
    %run_scoped3A_93 = arith.constant 38 : i32
    "tpu.region"() ({
      %run_scoped3A_107 = tpu.sem_alloc : memref<!tpu.dma_semaphore, #tpu.memory_space<semaphore_mem>>
      %dma_start3A_108 = arith.constant 0 : i32
      %dma_start3A_109 = tpu.memref_slice %arg8[%run_scoped3A_93, %dma_start3A_108] : memref<40x128xi32, #tpu.memory_space<vmem>> -> memref<1x128xi32, #tpu.memory_space<vmem>>
      %dma_start3A_110 = tpu.memref_squeeze %dma_start3A_109 : memref<1x128xi32, #tpu.memory_space<vmem>> -> memref<128xi32, #tpu.memory_space<vmem>>
      %dma_start3A_111 = arith.constant 0 : i32
      %dma_start3A_112 = arith.constant 0 : i32
      %dma_start3A_113 = tpu.memref_slice %arg6[%dma_start3A_111, %dma_start3A_112] : memref<10240x128xf32, #tpu.memory_space<vmem_shared>> -> memref<10240x128xf32, #tpu.memory_space<vmem_shared>>
      tpu.enqueue_indirect_dma source(%arg9 : memref<128x128xf32, #tpu.memory_space<vmem>>) target(%dma_start3A_113 : memref<10240x128xf32, #tpu.memory_space<vmem_shared>>) offsets(%dma_start3A_110 : memref<128xi32, #tpu.memory_space<vmem>>) semaphore(%run_scoped3A_107 : memref<!tpu.dma_semaphore, #tpu.memory_space<semaphore_mem>>) {add = true}
      %dma_wait3A_114 = arith.constant 0 : i32
      %dma_wait3A_115 = tpu.memref_slice %arg8[%run_scoped3A_93, %dma_wait3A_114] : memref<40x128xi32, #tpu.memory_space<vmem>> -> memref<1x128xi32, #tpu.memory_space<vmem>>
      %dma_wait3A_116 = tpu.memref_squeeze %dma_wait3A_115 : memref<1x128xi32, #tpu.memory_space<vmem>> -> memref<128xi32, #tpu.memory_space<vmem>>
      %dma_wait3A_117 = arith.constant 0 : i32
      %dma_wait3A_118 = arith.constant 0 : i32
      %dma_wait3A_119 = tpu.memref_slice %arg6[%dma_wait3A_117, %dma_wait3A_118] : memref<10240x128xf32, #tpu.memory_space<vmem_shared>> -> memref<10240x128xf32, #tpu.memory_space<vmem_shared>>
      tpu.wait_indirect_dma semaphore(%run_scoped3A_107 : memref<!tpu.dma_semaphore, #tpu.memory_space<semaphore_mem>>) src(%arg9 : memref<128x128xf32, #tpu.memory_space<vmem>>) dst(%dma_wait3A_119 : memref<10240x128xf32, #tpu.memory_space<vmem_shared>>)
      tpu.yield
    }) : () -> ()
    %dma_wait3A_94 = arith.constant 39 : i32
    %dma_wait3A_95 = arith.constant 0 : i32
    %dma_wait3A_96 = tpu.memref_slice %arg7[%dma_wait3A_94, %dma_wait3A_95] : memref<40x128xi32, #tpu.memory_space<vmem>> -> memref<1x128xi32, #tpu.memory_space<vmem>>
    %dma_wait3A_97 = tpu.memref_squeeze %dma_wait3A_96 : memref<1x128xi32, #tpu.memory_space<vmem>> -> memref<128xi32, #tpu.memory_space<vmem>>
    %dma_wait3A_98 = arith.constant 0 : i32
    %dma_wait3A_99 = arith.constant 0 : i32
    %dma_wait3A_100 = tpu.memref_slice %arg2[%arg0, %dma_wait3A_98, %dma_wait3A_99] : memref<2x10240x128xf32, #tpu.memory_space<hbm>> -> memref<1x10240x128xf32, #tpu.memory_space<hbm>>
    %dma_wait3A_101 = tpu.memref_squeeze %dma_wait3A_100 : memref<1x10240x128xf32, #tpu.memory_space<hbm>> -> memref<10240x128xf32, #tpu.memory_space<hbm>>
    %dma_wait3A_102 = arith.constant 0 : i32
    %dma_wait3A_103 = arith.constant 0 : i32
    %dma_wait3A_104 = tpu.memref_slice %dma_wait3A_101[%dma_wait3A_102, %dma_wait3A_103] : memref<10240x128xf32, #tpu.memory_space<hbm>> -> memref<10240x128xf32, #tpu.memory_space<hbm>>
    tpu.wait_indirect_dma semaphore(%arg12 : memref<!tpu.dma_semaphore, #tpu.memory_space<semaphore_mem>>) src(%dma_wait3A_104 : memref<10240x128xf32, #tpu.memory_space<hbm>>) dst(%arg10 : memref<128x128xf32, #tpu.memory_space<vmem>>)
    %run_scoped3A_105 = arith.constant 39 : i32
    "tpu.region"() ({
      %run_scoped3A_107 = tpu.sem_alloc : memref<!tpu.dma_semaphore, #tpu.memory_space<semaphore_mem>>
      %dma_start3A_108 = arith.constant 0 : i32
      %dma_start3A_109 = tpu.memref_slice %arg8[%run_scoped3A_105, %dma_start3A_108] : memref<40x128xi32, #tpu.memory_space<vmem>> -> memref<1x128xi32, #tpu.memory_space<vmem>>
      %dma_start3A_110 = tpu.memref_squeeze %dma_start3A_109 : memref<1x128xi32, #tpu.memory_space<vmem>> -> memref<128xi32, #tpu.memory_space<vmem>>
      %dma_start3A_111 = arith.constant 0 : i32
      %dma_start3A_112 = arith.constant 0 : i32
      %dma_start3A_113 = tpu.memref_slice %arg6[%dma_start3A_111, %dma_start3A_112] : memref<10240x128xf32, #tpu.memory_space<vmem_shared>> -> memref<10240x128xf32, #tpu.memory_space<vmem_shared>>
      tpu.enqueue_indirect_dma source(%arg10 : memref<128x128xf32, #tpu.memory_space<vmem>>) target(%dma_start3A_113 : memref<10240x128xf32, #tpu.memory_space<vmem_shared>>) offsets(%dma_start3A_110 : memref<128xi32, #tpu.memory_space<vmem>>) semaphore(%run_scoped3A_107 : memref<!tpu.dma_semaphore, #tpu.memory_space<semaphore_mem>>) {add = true}
      %dma_wait3A_114 = arith.constant 0 : i32
      %dma_wait3A_115 = tpu.memref_slice %arg8[%run_scoped3A_105, %dma_wait3A_114] : memref<40x128xi32, #tpu.memory_space<vmem>> -> memref<1x128xi32, #tpu.memory_space<vmem>>
      %dma_wait3A_116 = tpu.memref_squeeze %dma_wait3A_115 : memref<1x128xi32, #tpu.memory_space<vmem>> -> memref<128xi32, #tpu.memory_space<vmem>>
      %dma_wait3A_117 = arith.constant 0 : i32
      %dma_wait3A_118 = arith.constant 0 : i32
      %dma_wait3A_119 = tpu.memref_slice %arg6[%dma_wait3A_117, %dma_wait3A_118] : memref<10240x128xf32, #tpu.memory_space<vmem_shared>> -> memref<10240x128xf32, #tpu.memory_space<vmem_shared>>
      tpu.wait_indirect_dma semaphore(%run_scoped3A_107 : memref<!tpu.dma_semaphore, #tpu.memory_space<semaphore_mem>>) src(%arg10 : memref<128x128xf32, #tpu.memory_space<vmem>>) dst(%dma_wait3A_119 : memref<10240x128xf32, #tpu.memory_space<vmem_shared>>)
      tpu.yield
    }) : () -> ()
    %barrier3A_106 = arith.constant 0 : index
    tpu.barrier barrier_id(%barrier3A_106)
    "tpu.region"() ({
      %run_scoped3A_107 = tpu.sem_alloc : memref<!tpu.dma_semaphore, #tpu.memory_space<semaphore_mem>>
      %dma_start3A_108 = arith.constant 0 : i32
      %dma_start3A_109 = tpu.memref_slice %arg5[%arg0, %mul3A_0, %dma_start3A_108] : memref<2x10240x128xf32, #tpu.memory_space<hbm>> -> memref<1x640x128xf32, #tpu.memory_space<hbm>>
      %dma_start3A_110 = tpu.memref_squeeze %dma_start3A_109 : memref<1x640x128xf32, #tpu.memory_space<hbm>> -> memref<640x128xf32, #tpu.memory_space<hbm>>
      %dma_start3A_111 = arith.constant 0 : i32
      %dma_start3A_112 = tpu.memref_slice %arg6[%mul3A_0, %dma_start3A_111] : memref<10240x128xf32, #tpu.memory_space<vmem_shared>> -> memref<640x128xf32, #tpu.memory_space<vmem_shared>>
      tpu.enqueue_dma source(%dma_start3A_112 : memref<640x128xf32, #tpu.memory_space<vmem_shared>>) target(%dma_start3A_110 : memref<640x128xf32, #tpu.memory_space<hbm>>) target_semaphore(%run_scoped3A_107 : memref<!tpu.dma_semaphore, #tpu.memory_space<semaphore_mem>>)
      %dma_wait3A_113 = arith.constant 0 : i32
      %dma_wait3A_114 = tpu.memref_slice %arg5[%arg0, %mul3A_0, %dma_wait3A_113] : memref<2x10240x128xf32, #tpu.memory_space<hbm>> -> memref<1x640x128xf32, #tpu.memory_space<hbm>>
      %dma_wait3A_115 = tpu.memref_squeeze %dma_wait3A_114 : memref<1x640x128xf32, #tpu.memory_space<hbm>> -> memref<640x128xf32, #tpu.memory_space<hbm>>
      %dma_wait3A_116 = arith.constant 0 : i32
      %dma_wait3A_117 = tpu.memref_slice %arg6[%mul3A_0, %dma_wait3A_116] : memref<10240x128xf32, #tpu.memory_space<vmem_shared>> -> memref<640x128xf32, #tpu.memory_space<vmem_shared>>
      tpu.wait_dma2 semaphore(%run_scoped3A_107 : memref<!tpu.dma_semaphore, #tpu.memory_space<semaphore_mem>>) src(%dma_wait3A_117 : memref<640x128xf32, #tpu.memory_space<vmem_shared>>) dst(%dma_wait3A_115 : memref<640x128xf32, #tpu.memory_space<hbm>>)
      tpu.yield
    }) : () -> ()
    return
  }
}

module attributes {stable_mosaic.version = 14 : i64} {
  func.func @body(%arg0: i32, %arg1: memref<1024x256xf32, #tpu.memory_space<vmem>>, %arg2: memref<256x256xf32, #tpu.memory_space<vmem>>, %arg3: memref<1024x256xf32, #tpu.memory_space<vmem>>) attributes {dimension_semantics = [#tpu.dimension_semantics<arbitrary>], iteration_bounds = array<i64: 10>, scalar_prefetch = 0 : i64, scratch_operands = 0 : i64, tpu.core_type = #tpu.core_type<tc>, window_params = [{transform_indices = @transform_0, window_bounds = array<i64: 1024, 256>}, {pipeline_mode = #tpu.pipeline_mode<synchronous>, transform_indices = @transform_1, window_bounds = array<i64: 256, 256>}, {transform_indices = @transform_2, window_bounds = array<i64: 1024, 256>}]} {
    %get3A = arith.constant 0 : index
    %get3A_0 = arith.constant 0 : index
    %get3A_1 = vector.load %arg1[%get3A, %get3A_0] : memref<1024x256xf32, #tpu.memory_space<vmem>>, vector<1024x256xf32>
    %get3A_2 = arith.constant 0 : index
    %get3A_3 = arith.constant 0 : index
    %get3A_4 = vector.load %arg2[%get3A_2, %get3A_3] : memref<256x256xf32, #tpu.memory_space<vmem>>, vector<256x256xf32>
    %dot_general3A = arith.constant dense<0.000000e+00> : vector<1024x256xf32>
    %dot_general3A_5 = tpu.matmul %get3A_1, %get3A_4, %dot_general3A {dimension_numbers = #tpu.dot_dimension_numbers<[1], [0], [0], [1], [0, 0, 1, 1], [], []>, transpose_lhs_hint = false} : vector<1024x256xf32>, vector<256x256xf32>, vector<1024x256xf32> -> vector<1024x256xf32>
    %swap3A = arith.constant 0 : index
    %swap3A_6 = arith.constant 0 : index
    %swap3A_7 = vector.load %arg3[%swap3A, %swap3A_6] : memref<1024x256xf32, #tpu.memory_space<vmem>>, vector<1024x256xf32>
    tpu.vector_store %arg3[%swap3A, %swap3A_6], %dot_general3A_5 {strides = array<i32>} : memref<1024x256xf32, #tpu.memory_space<vmem>>, vector<1024x256xf32>,
    return
  }
  func.func @transform_0(%arg0: i32) -> (i32, i32) {
    %c0_i32 = arith.constant 0 : i32
    %c0_i32_0 = arith.constant 0 : i32
    return %arg0, %c0_i32 : i32, i32
  }
  func.func @transform_1(%arg0: i32) -> (i32, i32) {
    %c0_i32 = arith.constant 0 : i32
    %c0_i32_0 = arith.constant 0 : i32
    %c0_i32_1 = arith.constant 0 : i32
    return %c0_i32, %c0_i32_0 : i32, i32
  }
  func.func @transform_2(%arg0: i32) -> (i32, i32) {
    %c0_i32 = arith.constant 0 : i32
    %c0_i32_0 = arith.constant 0 : i32
    return %arg0, %c0_i32 : i32, i32
  }
}

module attributes {stable_mosaic.version = 14 : i64} {
  func.func @body(%arg0: i32, %arg1: memref<1024x256xf32, #tpu.memory_space<vmem>>, %arg2: memref<2x16x1024xf32, #tpu.memory_space<vmem>>, %arg3: memref<2x1024x128xf32, #tpu.memory_space<vmem>>, %arg4: memref<1024xf32, #tpu.memory_space<vmem>>) attributes {dimension_semantics = [#tpu.dimension_semantics<arbitrary>], iteration_bounds = array<i64: 10>, scalar_prefetch = 0 : i64, scratch_operands = 0 : i64, tpu.core_type = #tpu.core_type<tc>, window_params = [{transform_indices = @transform_0, window_bounds = array<i64: 1024, 256>}, {transform_indices = @transform_1, window_bounds = array<i64: 2, 16, 1024>}, {transform_indices = @transform_2, window_bounds = array<i64: 2, 1024, 128>}, {transform_indices = @transform_3, window_bounds = array<i64: 1024>}]} {
    %get3A = arith.constant 0 : index
    %get3A_0 = arith.constant 0 : index
    %get3A_1 = arith.constant 0 : index
    %get3A_2 = vector.load %arg2[%get3A, %get3A_0, %get3A_1] : memref<2x16x1024xf32, #tpu.memory_space<vmem>>, vector<1x16x1024xf32>
    %get3A_3 = vector.shape_cast %get3A_2 : vector<1x16x1024xf32> to vector<16x1024xf32>
    %get3A_4 = arith.constant 1 : index
    %get3A_5 = arith.constant 0 : index
    %get3A_6 = arith.constant 0 : index
    %get3A_7 = vector.load %arg2[%get3A_4, %get3A_5, %get3A_6] : memref<2x16x1024xf32, #tpu.memory_space<vmem>>, vector<1x16x1024xf32>
    %get3A_8 = vector.shape_cast %get3A_7 : vector<1x16x1024xf32> to vector<16x1024xf32>
    %add3A = arith.addf %get3A_3, %get3A_8 : vector<16x1024xf32>
    %reduce_sum3A = arith.constant dense<0.000000e+00> : vector<1024xf32>
    %reduce_sum3A_9 = vector.multi_reduction <add>, %add3A, %reduce_sum3A [0] : vector<16x1024xf32> to vector<1024xf32>
    %add3A_10 = arith.constant 1.000000e+00 : f32
    %add3A_11 = vector.broadcast %add3A_10 : f32 to vector<1024xf32>
    %add3A_12 = arith.addf %reduce_sum3A_9, %add3A_11 : vector<1024xf32>
    %rsqrt3A = math.rsqrt %add3A_12 : vector<1024xf32>
    %swap3A = arith.constant 0 : index
    %swap3A_13 = vector.load %arg4[%swap3A] : memref<1024xf32, #tpu.memory_space<vmem>>, vector<1024xf32>
    tpu.vector_store %arg4[%swap3A], %rsqrt3A {strides = array<i32>} : memref<1024xf32, #tpu.memory_space<vmem>>, vector<1024xf32>,
    %get3A_14 = arith.constant 0 : index
    %get3A_15 = arith.constant 0 : index
    %get3A_16 = vector.load %arg1[%get3A_14, %get3A_15] : memref<1024x256xf32, #tpu.memory_space<vmem>>, vector<1024x256xf32>
    %broadcast_in_dim3A = vector.shape_cast %rsqrt3A : vector<1024xf32> to vector<1024x1xf32>
    %mul3A = vector.broadcast %broadcast_in_dim3A : vector<1024x1xf32> to vector<1024x256xf32>
    %mul3A_17 = arith.mulf %get3A_16, %mul3A : vector<1024x256xf32>
    %slice3A = vector.extract_strided_slice %mul3A_17 {offsets = [0, 0], sizes = [1024, 128], strides = [1, 1]} : vector<1024x256xf32> to vector<1024x128xf32>
    %swap3A_18 = arith.constant 0 : index
    %swap3A_19 = arith.constant 0 : index
    %swap3A_20 = arith.constant 0 : index
    %swap3A_21 = vector.load %arg3[%swap3A_18, %swap3A_19, %swap3A_20] : memref<2x1024x128xf32, #tpu.memory_space<vmem>>, vector<1x1024x128xf32>
    %swap3A_22 = vector.shape_cast %swap3A_21 : vector<1x1024x128xf32> to vector<1024x128xf32>
    %swap3A_23 = vector.shape_cast %slice3A : vector<1024x128xf32> to vector<1x1024x128xf32>
    tpu.vector_store %arg3[%swap3A_18, %swap3A_19, %swap3A_20], %swap3A_23 {strides = array<i32>} : memref<2x1024x128xf32, #tpu.memory_space<vmem>>, vector<1x1024x128xf32>,
    %slice3A_24 = vector.extract_strided_slice %mul3A_17 {offsets = [0, 128], sizes = [1024, 128], strides = [1, 1]} : vector<1024x256xf32> to vector<1024x128xf32>
    %swap3A_25 = arith.constant 1 : index
    %swap3A_26 = arith.constant 0 : index
    %swap3A_27 = arith.constant 0 : index
    %swap3A_28 = vector.load %arg3[%swap3A_25, %swap3A_26, %swap3A_27] : memref<2x1024x128xf32, #tpu.memory_space<vmem>>, vector<1x1024x128xf32>
    %swap3A_29 = vector.shape_cast %swap3A_28 : vector<1x1024x128xf32> to vector<1024x128xf32>
    %swap3A_30 = vector.shape_cast %slice3A_24 : vector<1024x128xf32> to vector<1x1024x128xf32>
    tpu.vector_store %arg3[%swap3A_25, %swap3A_26, %swap3A_27], %swap3A_30 {strides = array<i32>} : memref<2x1024x128xf32, #tpu.memory_space<vmem>>, vector<1x1024x128xf32>,
    return
  }
  func.func @transform_0(%arg0: i32) -> (i32, i32) {
    %c0_i32 = arith.constant 0 : i32
    %c0_i32_0 = arith.constant 0 : i32
    return %arg0, %c0_i32 : i32, i32
  }
  func.func @transform_1(%arg0: i32) -> (i32, i32, i32) {
    %c0_i32 = arith.constant 0 : i32
    %c0_i32_0 = arith.constant 0 : i32
    %c0_i32_1 = arith.constant 0 : i32
    return %c0_i32, %c0_i32_0, %arg0 : i32, i32, i32
  }
  func.func @transform_2(%arg0: i32) -> (i32, i32, i32) {
    %c0_i32 = arith.constant 0 : i32
    %c0_i32_0 = arith.constant 0 : i32
    %c0_i32_1 = arith.constant 0 : i32
    return %c0_i32, %arg0, %c0_i32_0 : i32, i32, i32
  }
  func.func @transform_3(%arg0: i32) -> i32 {
    %c0_i32 = arith.constant 0 : i32
    return %arg0 : i32
  }
}

module attributes {stable_mosaic.version = 14 : i64} {
  func.func @body(%arg0: i32, %arg1: memref<2x1024x128xf32, #tpu.memory_space<vmem>>, %arg2: memref<1024xf32, #tpu.memory_space<vmem>>, %arg3: memref<256xf32, #tpu.memory_space<vmem>>, %arg4: memref<256x128xf32, #tpu.memory_space<vmem>>, %arg5: memref<1024x128xf32, #tpu.memory_space<vmem>>) attributes {dimension_semantics = [#tpu.dimension_semantics<arbitrary>], iteration_bounds = array<i64: 10>, scalar_prefetch = 0 : i64, scratch_operands = 0 : i64, tpu.core_type = #tpu.core_type<tc>, window_params = [{transform_indices = @transform_0, window_bounds = array<i64: 2, 1024, 128>}, {transform_indices = @transform_1, window_bounds = array<i64: 1024>}, {pipeline_mode = #tpu.pipeline_mode<synchronous>, transform_indices = @transform_2, window_bounds = array<i64: 256>}, {pipeline_mode = #tpu.pipeline_mode<synchronous>, transform_indices = @transform_3, window_bounds = array<i64: 256, 128>}, {transform_indices = @transform_4, window_bounds = array<i64: 1024, 128>}]} {
    %get3A = arith.constant 0 : index
    %get3A_0 = vector.load %arg2[%get3A] : memref<1024xf32, #tpu.memory_space<vmem>>, vector<1024xf32>
    %broadcast_in_dim3A = vector.shape_cast %get3A_0 : vector<1024xf32> to vector<1024x1xf32>
    %get3A_1 = arith.constant 0 : index
    %get3A_2 = arith.constant 0 : index
    %get3A_3 = arith.constant 0 : index
    %get3A_4 = vector.load %arg1[%get3A_1, %get3A_2, %get3A_3] : memref<2x1024x128xf32, #tpu.memory_space<vmem>>, vector<1x1024x128xf32>
    %get3A_5 = vector.shape_cast %get3A_4 : vector<1x1024x128xf32> to vector<1024x128xf32>
    %mul3A = vector.broadcast %broadcast_in_dim3A : vector<1024x1xf32> to vector<1024x128xf32>
    %mul3A_6 = arith.mulf %get3A_5, %mul3A : vector<1024x128xf32>
    %get3A_7 = arith.constant 0 : index
    %get3A_8 = vector.load %arg3[%get3A_7] : memref<256xf32, #tpu.memory_space<vmem>>, vector<256xf32>
    %slice3A = vector.extract_strided_slice %get3A_8 {offsets = [0], sizes = [128], strides = [1]} : vector<256xf32> to vector<128xf32>
    %broadcast_in_dim3A_9 = vector.shape_cast %slice3A : vector<128xf32> to vector<1x128xf32>
    %add3A = vector.broadcast %broadcast_in_dim3A_9 : vector<1x128xf32> to vector<1024x128xf32>
    %add3A_10 = arith.addf %mul3A_6, %add3A : vector<1024x128xf32>
    %get3A_11 = arith.constant 1 : index
    %get3A_12 = arith.constant 0 : index
    %get3A_13 = arith.constant 0 : index
    %get3A_14 = vector.load %arg1[%get3A_11, %get3A_12, %get3A_13] : memref<2x1024x128xf32, #tpu.memory_space<vmem>>, vector<1x1024x128xf32>
    %get3A_15 = vector.shape_cast %get3A_14 : vector<1x1024x128xf32> to vector<1024x128xf32>
    %mul3A_16 = vector.broadcast %broadcast_in_dim3A : vector<1024x1xf32> to vector<1024x128xf32>
    %mul3A_17 = arith.mulf %get3A_15, %mul3A_16 : vector<1024x128xf32>
    %get3A_18 = arith.constant 0 : index
    %get3A_19 = vector.load %arg3[%get3A_18] : memref<256xf32, #tpu.memory_space<vmem>>, vector<256xf32>
    %slice3A_20 = vector.extract_strided_slice %get3A_19 {offsets = [128], sizes = [128], strides = [1]} : vector<256xf32> to vector<128xf32>
    %broadcast_in_dim3A_21 = vector.shape_cast %slice3A_20 : vector<128xf32> to vector<1x128xf32>
    %add3A_22 = vector.broadcast %broadcast_in_dim3A_21 : vector<1x128xf32> to vector<1024x128xf32>
    %add3A_23 = arith.addf %mul3A_17, %add3A_22 : vector<1024x128xf32>
    %concatenate3A = tpu.concatenate %add3A_10, %add3A_23 in 1 : vector<1024x128xf32>, vector<1024x128xf32> -> vector<1024x256xf32>
    %max3A = arith.constant 0.000000e+00 : f32
    %max3A_24 = vector.broadcast %max3A : f32 to vector<1024x256xf32>
    %max3A_25 = arith.maximumf %concatenate3A, %max3A_24 : vector<1024x256xf32>
    %get3A_26 = arith.constant 0 : index
    %get3A_27 = arith.constant 0 : index
    %get3A_28 = vector.load %arg4[%get3A_26, %get3A_27] : memref<256x128xf32, #tpu.memory_space<vmem>>, vector<256x128xf32>
    %dot_general3A = arith.constant dense<0.000000e+00> : vector<1024x128xf32>
    %dot_general3A_29 = tpu.matmul %max3A_25, %get3A_28, %dot_general3A {dimension_numbers = #tpu.dot_dimension_numbers<[1], [0], [0], [1], [0, 0, 1, 1], [], []>, transpose_lhs_hint = false} : vector<1024x256xf32>, vector<256x128xf32>, vector<1024x128xf32> -> vector<1024x128xf32>
    %mul3A_30 = vector.broadcast %broadcast_in_dim3A : vector<1024x1xf32> to vector<1024x128xf32>
    %mul3A_31 = arith.mulf %dot_general3A_29, %mul3A_30 : vector<1024x128xf32>
    %swap3A = arith.constant 0 : index
    %swap3A_32 = arith.constant 0 : index
    %swap3A_33 = vector.load %arg5[%swap3A, %swap3A_32] : memref<1024x128xf32, #tpu.memory_space<vmem>>, vector<1024x128xf32>
    tpu.vector_store %arg5[%swap3A, %swap3A_32], %mul3A_31 {strides = array<i32>} : memref<1024x128xf32, #tpu.memory_space<vmem>>, vector<1024x128xf32>,
    return
  }
  func.func @transform_0(%arg0: i32) -> (i32, i32, i32) {
    %c0_i32 = arith.constant 0 : i32
    %c0_i32_0 = arith.constant 0 : i32
    %c0_i32_1 = arith.constant 0 : i32
    return %c0_i32, %arg0, %c0_i32_0 : i32, i32, i32
  }
  func.func @transform_1(%arg0: i32) -> i32 {
    %c0_i32 = arith.constant 0 : i32
    return %arg0 : i32
  }
  func.func @transform_2(%arg0: i32) -> i32 {
    %c0_i32 = arith.constant 0 : i32
    %c0_i32_0 = arith.constant 0 : i32
    return %c0_i32 : i32
  }
  func.func @transform_3(%arg0: i32) -> (i32, i32) {
    %c0_i32 = arith.constant 0 : i32
    %c0_i32_0 = arith.constant 0 : i32
    %c0_i32_1 = arith.constant 0 : i32
    return %c0_i32, %c0_i32_0 : i32, i32
  }
  func.func @transform_4(%arg0: i32) -> (i32, i32) {
    %c0_i32 = arith.constant 0 : i32
    %c0_i32_0 = arith.constant 0 : i32
    return %arg0, %c0_i32 : i32, i32
  }
}

module attributes {stable_mosaic.version = 14 : i64} {
  func.func @body(%arg0: i32, %arg1: memref<2x1024x128xf32, #tpu.memory_space<vmem>>, %arg2: memref<1024x128xf32, #tpu.memory_space<vmem>>, %arg3: memref<1024xf32, #tpu.memory_space<vmem>>, %arg4: memref<128xf32, #tpu.memory_space<vmem>>, %arg5: memref<1024x128xf32, #tpu.memory_space<vmem>>) attributes {dimension_semantics = [#tpu.dimension_semantics<arbitrary>], iteration_bounds = array<i64: 10>, scalar_prefetch = 0 : i64, scratch_operands = 0 : i64, tpu.core_type = #tpu.core_type<tc>, window_params = [{transform_indices = @transform_0, window_bounds = array<i64: 2, 1024, 128>}, {transform_indices = @transform_1, window_bounds = array<i64: 1024, 128>}, {transform_indices = @transform_2, window_bounds = array<i64: 1024>}, {pipeline_mode = #tpu.pipeline_mode<synchronous>, transform_indices = @transform_3, window_bounds = array<i64: 128>}, {transform_indices = @transform_4, window_bounds = array<i64: 1024, 128>}]} {
    %get3A = arith.constant 0 : index
    %get3A_0 = arith.constant 0 : index
    %get3A_1 = arith.constant 0 : index
    %get3A_2 = vector.load %arg1[%get3A, %get3A_0, %get3A_1] : memref<2x1024x128xf32, #tpu.memory_space<vmem>>, vector<1x1024x128xf32>
    %get3A_3 = vector.shape_cast %get3A_2 : vector<1x1024x128xf32> to vector<1024x128xf32>
    %get3A_4 = arith.constant 1 : index
    %get3A_5 = arith.constant 0 : index
    %get3A_6 = arith.constant 0 : index
    %get3A_7 = vector.load %arg1[%get3A_4, %get3A_5, %get3A_6] : memref<2x1024x128xf32, #tpu.memory_space<vmem>>, vector<1x1024x128xf32>
    %get3A_8 = vector.shape_cast %get3A_7 : vector<1x1024x128xf32> to vector<1024x128xf32>
    %add3A = arith.addf %get3A_3, %get3A_8 : vector<1024x128xf32>
    %get3A_9 = arith.constant 0 : index
    %get3A_10 = arith.constant 0 : index
    %get3A_11 = vector.load %arg2[%get3A_9, %get3A_10] : memref<1024x128xf32, #tpu.memory_space<vmem>>, vector<1024x128xf32>
    %sub3A = arith.subf %add3A, %get3A_11 : vector<1024x128xf32>
    %get3A_12 = arith.constant 0 : index
    %get3A_13 = vector.load %arg3[%get3A_12] : memref<1024xf32, #tpu.memory_space<vmem>>, vector<1024xf32>
    %broadcast_in_dim3A = vector.shape_cast %get3A_13 : vector<1024xf32> to vector<1024x1xf32>
    %mul3A = vector.broadcast %broadcast_in_dim3A : vector<1024x1xf32> to vector<1024x128xf32>
    %mul3A_14 = arith.mulf %sub3A, %mul3A : vector<1024x128xf32>
    %get3A_15 = arith.constant 0 : index
    %get3A_16 = vector.load %arg4[%get3A_15] : memref<128xf32, #tpu.memory_space<vmem>>, vector<128xf32>
    %broadcast_in_dim3A_17 = vector.shape_cast %get3A_16 : vector<128xf32> to vector<1x128xf32>
    %add3A_18 = vector.broadcast %broadcast_in_dim3A_17 : vector<1x128xf32> to vector<1024x128xf32>
    %add3A_19 = arith.addf %mul3A_14, %add3A_18 : vector<1024x128xf32>
    %swap3A = arith.constant 0 : index
    %swap3A_20 = arith.constant 0 : index
    %swap3A_21 = vector.load %arg5[%swap3A, %swap3A_20] : memref<1024x128xf32, #tpu.memory_space<vmem>>, vector<1024x128xf32>
    tpu.vector_store %arg5[%swap3A, %swap3A_20], %add3A_19 {strides = array<i32>} : memref<1024x128xf32, #tpu.memory_space<vmem>>, vector<1024x128xf32>,
    return
  }
  func.func @transform_0(%arg0: i32) -> (i32, i32, i32) {
    %c0_i32 = arith.constant 0 : i32
    %c0_i32_0 = arith.constant 0 : i32
    %c0_i32_1 = arith.constant 0 : i32
    return %c0_i32, %arg0, %c0_i32_0 : i32, i32, i32
  }
  func.func @transform_1(%arg0: i32) -> (i32, i32) {
    %c0_i32 = arith.constant 0 : i32
    %c0_i32_0 = arith.constant 0 : i32
    return %arg0, %c0_i32 : i32, i32
  }
  func.func @transform_2(%arg0: i32) -> i32 {
    %c0_i32 = arith.constant 0 : i32
    return %arg0 : i32
  }
  func.func @transform_3(%arg0: i32) -> i32 {
    %c0_i32 = arith.constant 0 : i32
    %c0_i32_0 = arith.constant 0 : i32
    return %c0_i32 : i32
  }
  func.func @transform_4(%arg0: i32) -> (i32, i32) {
    %c0_i32 = arith.constant 0 : i32
    %c0_i32_0 = arith.constant 0 : i32
    return %arg0, %c0_i32 : i32, i32
  }
}

</mosaic_0001>

<sc_bundles>
// kernel: kernel.12.cloned.1.call-start
scs
__scs_entry_jumppad:
0x0: {  	(pc) =	sbr.rel $0x88, $3  }
0x1: {  	(tag) =	ssettag $0x0;
	lr =	simm.s32 $0x1  }
0x2: {  	[smem:$0x3F9B] =	sst lr;
	_ =	strace $0xD0000000  }
0x3: {  	_ = 	snop  }
0x4: {  	_ = 	snop  }
0x5: {  	_ = 	snop  }
0x6: {  	_ = 	snop  }
0x7: {  	_ = 	snop  }
__scs_overlays_trampoline_lowered:
0x8: {  	[smem:$0x3FAA] =	sst s0  }
0x9: {  	[smem:$0x3FAB] =	sst s1  }
0xa: {  	[smem:$0x3FAC] =	sst s2  }
0xb: {  	[smem:$0x3FAD] =	sst s3  }
0xc: {  	[smem:$0x3FAE] =	sst s4  }
0xd: {  	[smem:$0x3FAF] =	sst s5  }
0xe: {  	[smem:$0x3FB0] =	sst s6  }
0xf: {  	[smem:$0x3FB1] =	sst s7  }
0x10: {  	[smem:$0x3FB2] =	sst s8  }
0x11: {  	[smem:$0x3FB3] =	sst s9;
	s0 =	simm.s32 @!p0 $0x0  }
0x12: {  	s1 =	sld [smem:$0x3F99];
	s0 =	simm.s32 @p0 $0x1  }
0x13: {  	[smem:$0x3FB4] =	sst s0;
	s0 =	simm.s32 @!p1 $0x0  }
0x14: {  	s2 =	sld [smem:$0x3F98];
	s0 =	simm.s32 @p1 $0x1  }
0x15: {  	[smem:$0x3FB5] =	sst s0;
	s0 =	simm.s32 @!p2 $0x0  }
0x16: {  	s3 =	sld [smem:$0x3FDB];
	s0 =	simm.s32 @p2 $0x1  }
0x17: {  	s4 =	simm.s32 $0x1BF5;
	[smem:$0x3FB7] =	sst s0  }
0x18: {  	s0 =	sld [smem:$0x3F9A];
	_ =	swait.ge [sflag:s4], $0x0  }
0x19: {  	s7 =	sld [smem:$0x3F9B]  }
0x1a: {  	s8 =	sadd.s32 $0xFFFFE003, lr  }
0x1b: {  	s9 =	sadd.s32 $0xFFFFFEF7, lr;
	s5 =	simm.s32 $0xFFFFFFFF;
	p2 =	slt.u32 s8, $0xFFFFF086  }
0x1c: {  	p1 =	slt.u32 s9, $0xF7A;
	s5 =	simm.s32 @!p2 $0x0  }
0x1d: {  	s5 =	simm.s32 @p1 $0x1;
	p0 =	seq.s32 s7, s2  }
0x1e: {  	s7 =	smul.u32 @!p0 $0xF7A, s2;
	p2 =	seq.s32 @!p0 s5, $0x0  }
0x1f: {  	s9 =	smul.u32 $0xF7A, s1;
	s8 =	simm.s32 @!p0 $0x1BF5;
	p2 =	por !p2, p0  }
0x20: {  	[sflag:s8] =	ssyncset.s32 @!p0 $0xFFFFF086;
	s6 =	sadd.s32 @!p0 s3, s7;
	s7 =	simm.s32 @!p0 $0x108  }
0x21: {  	s3 =	sadd.s32 s3, s9;
	s6 =	sadd.s32 @!p0 $0x88, s6;
	s7 =	simm.s32 @p2 $0x1082  }
0x22: {  	[simem:s7], [sflag:s8] =	dma.local @!p0 [hbm:s6], $0xF7A  }
0x23: {  	s9 =	sor.u32 $0xD0000000, s2;
	s6 =	simm.s32 $0x108;
	_ =	swait.ge @!p0 [sflag:s8], $0x0  }
0x24: {  	s3 =	sadd.s32 $0x88, s3;
	s6 =	simm.s32 @!p1 $0x1082;
	[sflag:s4] =	ssyncset.s32 $0xFFFFF086  }
0x25: {  	[simem:s6], [sflag:s4] =	dma.local [hbm:s3], $0xF7A  }
0x26: {  	[smem:$0x3F9B] =	sst s1;
	(tag) =	ssettag s2;
	_ =	strace s9  }
0x27: {  	s1 =	sld [smem:$0x3FAB]  }
0x28: {  	s2 =	sld [smem:$0x3FAC]  }
0x29: {  	s4 =	sld [smem:$0x3FAE]  }
0x2a: {  	p0 =	seq.s32 s5, $0x0;
	s5 =	sld [smem:$0x3FAF]  }
0x2b: {  	s6 =	sld [smem:$0x3FB0]  }
0x2c: {  	s7 =	sld [smem:$0x3FB1]  }
0x2d: {  	s3 =	simm.s32 $0x108;
	s8 =	sld [smem:$0x3FB2]  }
0x2e: {  	s3 =	simm.s32 @!p0 $0x1082;
	s9 =	sld [smem:$0x3FB3]  }
0x2f: {  	lr =	sadd.s32 s0, s3;
	s0 =	sld [smem:$0x3FAA]  }
0x30: {  	s3 =	sld [smem:$0x3FAD]  }
0x31: {  	[smem:$0x3FB6] =	sst s10  }
0x32: {  	s10 =	sld [smem:$0x3FB4];
	_ =	sdelay $0x3  }
0x33: {  	p0 =	seq.s32 s10, $0x1;
	s10 =	sld [smem:$0x3FB6];
	_ =	sdelay $0x3  }
0x34: {  	[smem:$0x3FB6] =	sst s10  }
0x35: {  	s10 =	sld [smem:$0x3FB5];
	_ =	sdelay $0x3  }
0x36: {  	p1 =	seq.s32 s10, $0x1;
	s10 =	sld [smem:$0x3FB6];
	_ =	sdelay $0x3  }
0x37: {  	[smem:$0x3FB6] =	sst s10  }
0x38: {  	s10 =	sld [smem:$0x3FB7]  }
0x39: {  	_ = 	snop;
	(pc) =	sbr.ind lr, $3  }
0x3a: {  	_ = 	snop  }
0x3b: {  	_ = 	snop  }
0x3c: {  	p2 =	seq.s32 s10, $0x1;
	s10 =	sld [smem:$0x3FB6]  }
0x3d: {  	_ =	shalt  }
0x3e: {  	_ =	shalt  }
0x3f: {  	_ =	shalt  }
0x40: {  	_ =	shalt  }
0x41: {  	_ =	shalt  }
0x42: {  	_ =	shalt  }
0x43: {  	_ =	shalt  }
0x44: {  	_ =	shalt  }
0x45: {  	_ =	shalt  }
0x46: {  	_ =	shalt  }
0x47: {  	_ =	shalt  }
0x48: {  	_ =	shalt  }
0x49: {  	_ =	shalt  }
0x4a: {  	_ =	shalt  }
0x4b: {  	_ =	shalt  }
0x4c: {  	_ =	shalt  }
0x4d: {  	_ =	shalt  }
0x4e: {  	_ =	shalt  }
0x4f: {  	_ =	shalt  }
0x50: {  	_ =	shalt  }
0x51: {  	_ =	shalt  }
0x52: {  	_ =	shalt  }
0x53: {  	_ =	shalt  }
0x54: {  	_ =	shalt  }
0x55: {  	_ =	shalt  }
0x56: {  	_ =	shalt  }
0x57: {  	_ =	shalt  }
0x58: {  	_ =	shalt  }
0x59: {  	_ =	shalt  }
0x5a: {  	_ =	shalt  }
0x5b: {  	_ =	shalt  }
0x5c: {  	_ =	shalt  }
0x5d: {  	_ =	shalt  }
0x5e: {  	_ =	shalt  }
0x5f: {  	_ =	shalt  }
0x60: {  	_ =	shalt  }
0x61: {  	_ =	shalt  }
0x62: {  	_ =	shalt  }
0x63: {  	_ =	shalt  }
0x64: {  	_ =	shalt  }
0x65: {  	_ =	shalt  }
0x66: {  	_ =	shalt  }
0x67: {  	_ =	shalt  }
0x68: {  	_ =	shalt  }
0x69: {  	_ =	shalt  }
0x6a: {  	_ =	shalt  }
0x6b: {  	_ =	shalt  }
0x6c: {  	_ =	shalt  }
0x6d: {  	_ =	shalt  }
0x6e: {  	_ =	shalt  }
0x6f: {  	_ =	shalt  }
0x70: {  	_ =	shalt  }
0x71: {  	_ =	shalt  }
0x72: {  	_ =	shalt  }
0x73: {  	_ =	shalt  }
0x74: {  	_ =	shalt  }
0x75: {  	_ =	shalt  }
0x76: {  	_ =	shalt  }
0x77: {  	_ =	shalt  }
0x78: {  	_ =	shalt  }
0x79: {  	_ =	shalt  }
0x7a: {  	_ =	shalt  }
0x7b: {  	_ =	shalt  }
0x7c: {  	_ =	shalt  }
0x7d: {  	_ =	shalt  }
0x7e: {  	_ =	shalt  }
0x7f: {  	_ =	shalt  }
0x80: {  	_ =	shalt  }
0x81: {  	_ =	shalt  }
0x82: {  	_ =	shalt  }
0x83: {  	_ =	shalt  }
0x84: {  	_ =	shalt  }
0x85: {  	_ =	shalt  }
0x86: {  	_ =	shalt  }
0x87: {  	_ =	shalt  }
.Lfunc_end0:
.L_simem_size_0:
called_computation.1_lowered:
.L_overlay_start_0:
0x88: {  	s2 =	sld [smem:$0x3FD9]  }
0x89: {  	s3 =	sld [smem:$0x3FFE];
	_ =	sdelay $0x1  }
0x8a: {  	s1 =	srdreg.scid  }
0x8b: {  	s0 =	sand.u32 $0x1, s1  }
0x8c: {  	s16 =	sshll.u32 s0, $0xA;
	s2 =	sadd.s32 s3, s2  }
0x8d: {  	s2 =	sadd.s32 s2, s16  }
0x8e: {  	[smem:$0x3FC2] =	sst s2  }
0x8f: {  	_ = 	snop  }
0x90: {  	(tm) =	ssettm $0x1  }
0x91: {  	s17 =	sld [smem:$0x3FFB];
	_ =	sdelay $0x3  }
0x92: {  	_ =	strace s17  }
0x93: {  	s2 =	sld [smem:$0x3FFC];
	_ =	sdelay $0x3  }
0x94: {  	_ =	strace s2  }
0x95: {  	s2 =	sld [smem:$0x3FFD];
	_ =	sdelay $0x3  }
0x96: {  	_ =	strace s2  }
0x97: {  	_ =	strace $0x8FFFFFFF  }
0x98: {  	s18 =	sld [smem:$0x3FDB];
	_ =	sdelay $0x1  }
0x99: {  	s19 =	simm.s32 $_scs_section_size  }
0x9a: {  	s4 =	simm.s32 $_size__tile_overlayer_lowered;
	s5 =	simm.s32 $_tile_overlayer_lowered  }
0x9b: {  	s22 =	simm.s32 $0x1BFF;
	s21 =	sshll.u32 s5, $0x1;
	s2 =	sadd.s32 s19, s18  }
0x9c: {  	s6 =	simm.s32 $0x0;
	s20 =	sshll.u32 s4, $0x1;
	s4 =	sadd.s32 s21, s2  }
0x9d: {  	[timem:s6], [sflag:s22] =	dma.local [hbm:s4], s20  }
0x9e: {  	_ =	swait.ge [sflag:s22], s20  }
0x9f: {  	s3 =	ssub.s32 $0x0, s20;
	[sflag:s22] =	ssyncset.done $0x0  }
0xa0: {  	[sflag:s22] =	ssyncadd.s32 s3;
	_ =	sdelay $0x1  }
0xa1: {  	s23 =	simm.s32 $0x1B8B  }
0xa2: {  	_ =	swait.ge [sflag:s23], $0x1  }
0xa3: {  	[sflag:s23] =	ssyncset.done $0x0  }
0xa4: {  	s25 =	simm.s32 $0x1B8E;
	s24 =	sld [smem:$0x3FFE];
	[sflag:s23] =	ssyncadd.s32 $0xFFFFFFFF  }
0xa5: {  	s26 =	simm.s32 $execute0_lowered;
	[smem:$0x3FD2] =	sst s25  }
0xa6: {  	s4 =	sshll.u32 s26, $0x1;
	_ =	strace $0x80000049;
	[dreg:$0x1] =	wrdreg $0xFFFFFFFF  }
0xa7: {  	s28 =	simm.s32 $_size_execute0_lowered;
	s2 =	sadd.s32 s2, s4;
	[dreg:$0x0] =	wrdreg $0x0  }
0xa8: {  	s4 =	sshll.u32 s28, $0x1;
	[dreg:$0x2] =	wrdreg s2  }
0xa9: {  	[dreg:$0x3] =	wrdreg s4  }
0xaa: {  	[dreg:$0x4] =	wrdreg $0xC0  }
0xab: {  	_ =	task [dreg:s6], $0x5FFFF  }
0xac: {  	[dreg:$0x1] =	wrdreg $0xFFFFFFFF  }
0xad: {  	[dreg:$0x0] =	wrdreg $0x60  }
0xae: {  	[dreg:$0x2] =	wrdreg s24  }
0xaf: {  	[dreg:$0x3] =	wrdreg $0x0  }
0xb0: {  	[dreg:$0x4] =	wrdreg $0x9  }
0xb1: {  	_ =	task.clear_ibuf [dreg:s6], $0x5FFFF;
	_ =	strace $0x90000049  }
0xb2: {  	s29 =	simm.s32 $0x9;
	_ =	strace $0x8000004B  }
0xb3: {  	_ =	swait.ge [sflag:s29], $0x1  }
0xb4: {  	[sflag:s29] =	ssyncadd.s32 $0xFFFFFFFF  }
0xb5: {  	_ =	strace $0x9000004B  }
0xb6: {  	_ =	sfence  }
0xb7: {  	s30 =	sld [smem:$0x0];
	_ =	sdelay $0x2  }
0xb8: {  	s31 =	sshll.u32 s1, $0xD;
	s1 =	sshrl.u32 s1, $0x2  }
0xb9: {  	s3 =	sand.u32 $0x4000, s31;
	s1 =	sadd.s32 s1, s30  }
0xba: {  	s0 =	sor.u32 s3, s0;
	s1 =	sshll.u32 s1, $0x11  }
0xbb: {  	s0 =	sor.u32 s1, s0  }
0xbc: {  	s0 =	sadd.s32 $0x8F2B, s0  }
0xbd: {  	[sflag:s0] =	ssyncadd.remote.s32 $0x1  }
0xbe: {  	_ =	sfence.sel $0xFFFF  }
0xbf: {  	[dreg:$0x0] =	wrdreg $0xFFFFFFFF;
	(pc) =	sbr.abs _section_cstart, $3  }
0xc0: {  	[dreg:$0x1] =	wrdreg $0xFFFFFFFF  }
0xc1: {  	_ =	task.clear_ibuf [dreg:s6], $0x2FFFF;
	_ =	strace $0x9FFFFFFF  }
0xc2: {  	(tm) =	ssettm $0x7FFFFFFF  }
0xc3: {  	_ =	shalt  }
tec
execute0_lowered:
.L_overlay_start_1:
0x0: {  	(tag) =	ssettag $0x1  }
0x1: {  	s4 =	rddreg [dreg:$0x0]  }
0x2: {  	s0 =	srdreg.scid;
	s2 =	rddreg [dreg:$0x1];
	s3 =	simm.s32 $0x0  }
0x3: {  	s1 =	stileid.u32;
	s15 =	simm.s32 $0x14000;
	s16 =	simm.s32 $0x15400  }
0x4: {  	s17 =	simm.s32 $0x80;
	s18 =	simm.s32 $0x16800;
	s19 =	simm.s32 $0x1  }
0x5: {  	s20 =	simm.s32 $0x1A800;
	s21 =	simm.s32 $0x2;
	s8 =	smul.u32 $0x14000, s1  }
0x6: {  	s22 =	simm.s32 $0x15380;
	s23 =	simm.s32 $0x16700;
	s10 =	smul.u32 $0x50000, s1  }
0x7: {  	s5 =	sand.u32 $0x1, s0;
	s0 =	rddreg [dreg:$0x2];
	s26 =	smul.u32 $0x2800, s1  }
0x8: {  	[smem:$0x7FF] =	sst s3;
	s9 =	sadd.s32 $0x1E00, s4;
	s29 =	smul.u32 $0x500, s1  }
0x9: {  	s11 =	sadd.s32 $0x6E00, s4;
	s6 =	smul.u32 $0x140000, s5;
	s5 =	ssub.s32 $0x2, s5  }
0xa: {  	s30 =	sshll.u32 s1, $0x6;
	_ =	strace $0x8000004A;
	s24 =	sshrl.u32 s5, $0x1  }
0xb: {  	s25 =	sshrl.u32 s10, $0x2;
	s28 =	sshrl.u32 s8, $0x3;
	s31 =	sshrl.u32 s26, $0x3  }
0xc: {  	s7 =	sshrl.u32 s6, $0x3;
	s6 =	sadd.s32 s8, s6;
	s13 =	ssub.s32 s5, s24  }
0xd: {  	s14 =	sadd.s32 s25, s2;
	s10 =	sadd.s32 $0x280, s31;
	s8 =	sadd.s32 s11, s29  }
0xe: {  	s24 =	simm.s32 $0x16780;
	s7 =	sadd.s32 s7, s4;
	s6 =	sshrl.u32 s6, $0x3  }
0xf: {  	s25 =	simm.s32 $0x0;
	s12 =	sadd.s32 s6, s4;
	s4 =	sadd.s32 $0xBE00, s7  }
0x10: {  	s6 =	sor.u32 $0x1C03, s30;
	s7 =	sadd.s32 s9, s29;
	s9 =	sadd.s32 s9, s10  }
0x11: {  	s10 =	sadd.s32 s11, s10;
	s5 =	sadd.s32 s28, s4;
	s11 =	sadd.s32 $0x5BE00, s12  }
0x12: {  	s12 =	smax.u32 s13, $0x1;
	s13 =	sshrl.u32 s14, $0x3;
	s14 =	simm.s32 $0x3  }
.LBB2_1:
0x13: {  	[spmem:s13], [sflag:s6] =	dma.local [hbm:s5], $0x2800  }
0x14: {  	_ =	swait.ge [sflag:s14], $0x2800  }
0x15: {  	[sflag:s14] =	ssyncset.done $0x0  }
0x16: {  	[sflag:s14] =	ssyncadd.s32 $0xFFFFD800  }
0x17: {  	[bflag:$0x0] =	sbarrier.arrive $0xFFFF  }
0x18: {  	[tilespmem:s15], [sflag:$0x3] =	stream.linear.gather [hbm4b:s7+s3], $0x1400, $0x38;
	[tilespmem:$0x1E800] =	vst v63  }
0x19: {  	_ =	swait.ge [sflag:s14], $0x1400  }
0x1a: {  	[sflag:s14] =	ssyncset.done $0x0  }
0x1b: {  	[sflag:s14] =	ssyncadd.s32 $0xFFFFEC00  }
0x1c: {  	[tilespmem:s16], [sflag:$0x3] =	stream.linear.gather [hbm4b:s8+s3], $0x1400, $0x38;
	[tilespmem:$0x1E800] =	vst v63  }
0x1d: {  	_ =	swait.ge [sflag:s14], $0x1400  }
0x1e: {  	[sflag:s14] =	ssyncset.done $0x0  }
0x1f: {  	[sflag:s14] =	ssyncadd.s32 $0xFFFFEC00  }
0x20: {  	[tilespmem:s18], [sflag:$0x1] =	stream.indirect.gather [hbm4b:s4+s17], $0x80, s15, s17, $0xb8;
	[tilespmem:$0x1E800] =	vst v63  }
0x21: {  	_ =	swait.ge [sflag:s19], $0x4000  }
0x22: {  	[sflag:s19] =	ssyncset.done $0x0  }
0x23: {  	s26 =	simm.s32 $0x14080;
	[sflag:s19] =	ssyncadd.s32 $0xFFFFC000  }
0x24: {  	[tilespmem:s20], [sflag:$0x2] =	stream.indirect.gather [hbm4b:s4+s17], $0x80, s26, s17, $0xb8;
	[tilespmem:$0x1E800] =	vst v63  }
0x25: {  	s29 =	simm.s32 $0x15400  }
0x26: {  	[spmem:s2] =	stream.indirect.scatter.add.f32 [tilespmem:s18], [sflag:$0x3], $0x80, s29, s17, $0xb8;
	[tilespmem:$0x1E800] =	vst v63  }
0x27: {  	_ =	swait.ge [sflag:s14], $0x4000  }
0x28: {  	[sflag:s14] =	ssyncset.done $0x0  }
0x29: {  	[sflag:s14] =	ssyncadd.s32 $0xFFFFC000  }
0x2a: {  	_ =	swait.ge [sflag:s21], $0x4000  }
0x2b: {  	[sflag:s21] =	ssyncset.done $0x0  }
0x2c: {  	s30 =	simm.s32 $0x14100;
	[sflag:s21] =	ssyncadd.s32 $0xFFFFC000  }
0x2d: {  	[tilespmem:s18], [sflag:$0x1] =	stream.indirect.gather [hbm4b:s4+s17], $0x80, s30, s17, $0xb8;
	[tilespmem:$0x1E800] =	vst v63  }
0x2e: {  	s31 =	simm.s32 $0x15480  }
0x2f: {  	[spmem:s2] =	stream.indirect.scatter.add.f32 [tilespmem:s20], [sflag:$0x3], $0x80, s31, s17, $0xb8;
	[tilespmem:$0x1E800] =	vst v63  }
0x30: {  	_ =	swait.ge [sflag:s14], $0x4000  }
0x31: {  	[sflag:s14] =	ssyncset.done $0x0  }
0x32: {  	[sflag:s14] =	ssyncadd.s32 $0xFFFFC000  }
0x33: {  	_ =	swait.ge [sflag:s19], $0x4000  }
0x34: {  	s28 =	simm.s32 $0x800;
	s26 =	simm.s32 $0x100;
	[sflag:s19] =	ssyncset.done $0x0  }
.LBB2_2:
0x35: {  	s29 =	sadd.s32 $0x14080, s26  }
0x36: {  	[sflag:s19] =	ssyncadd.s32 $0xFFFFC000;
	s30 =	smov.u32 s28;
	s31 =	sadd.s32 $0x400, s28  }
0x37: {  	[tilespmem:s20], [sflag:$0x2] =	stream.indirect.gather [hbm4b:s4+s17], $0x80, s29, s17, $0xb8;
	[tilespmem:$0x1E800] =	vst v63  }
0x38: {  	p0 =	sne.s32 s28, $0x4800;
	s28 =	sadd.s32 $0x15400, s26  }
0x39: {  	[spmem:s2] =	stream.indirect.scatter.add.f32 [tilespmem:s18], [sflag:$0x3], $0x80, s28, s17, $0xb8;
	[tilespmem:$0x1E800] =	vst v63  }
0x3a: {  	_ =	swait.ge [sflag:s14], $0x4000  }
0x3b: {  	[sflag:s14] =	ssyncset.done $0x0  }
0x3c: {  	[sflag:s14] =	ssyncadd.s32 $0xFFFFC000  }
0x3d: {  	_ =	swait.ge [sflag:s21], $0x4000  }
0x3e: {  	[sflag:s21] =	ssyncset.done $0x0  }
0x3f: {  	s28 =	sadd.s32 $0x14100, s26;
	[sflag:s21] =	ssyncadd.s32 $0xFFFFC000  }
0x40: {  	[tilespmem:s18], [sflag:$0x1] =	stream.indirect.gather [hbm4b:s4+s17], $0x80, s28, s17, $0xb8;
	[tilespmem:$0x1E800] =	vst v63  }
0x41: {  	s26 =	sadd.s32 $0x15480, s26  }
0x42: {  	[spmem:s2] =	stream.indirect.scatter.add.f32 [tilespmem:s20], [sflag:$0x3], $0x80, s26, s17, $0xb8;
	[tilespmem:$0x1E800] =	vst v63  }
.Ltmp0:
0x43: {  	_ =	swait.ge [sflag:s14], $0x4000;
	(pc) =	sbr.rel @p0 .LBB2_2-.Ltmp0, $4  }
0x44: {  	[sflag:s14] =	ssyncset.done $0x0  }
0x45: {  	[sflag:s14] =	ssyncadd.s32 $0xFFFFC000  }
0x46: {  	_ =	swait.ge [sflag:s19], $0x4000  }
0x47: {  	s28 =	smov.u32 s31;
	s26 =	sshra.s32 s30, $0x2;
	[sflag:s19] =	ssyncset.done $0x0  }
0x48: {  	s28 =	sadd.s32 $0x14080, s26;
	[sflag:s19] =	ssyncadd.s32 $0xFFFFC000  }
0x49: {  	[tilespmem:s20], [sflag:$0x2] =	stream.indirect.gather [hbm4b:s4+s17], $0x80, s28, s17, $0xb8;
	[tilespmem:$0x1E800] =	vst v63  }
0x4a: {  	s28 =	sadd.s32 $0x15400, s26  }
0x4b: {  	[spmem:s2] =	stream.indirect.scatter.add.f32 [tilespmem:s18], [sflag:$0x3], $0x80, s28, s17, $0xb8;
	[tilespmem:$0x1E800] =	vst v63  }
0x4c: {  	_ =	swait.ge [sflag:s14], $0x4000  }
0x4d: {  	[sflag:s14] =	ssyncset.done $0x0  }
0x4e: {  	[sflag:s14] =	ssyncadd.s32 $0xFFFFC000  }
0x4f: {  	_ =	swait.ge [sflag:s21], $0x4000  }
0x50: {  	[sflag:s21] =	ssyncset.done $0x0  }
0x51: {  	s28 =	sadd.s32 $0x14100, s26;
	[sflag:s21] =	ssyncadd.s32 $0xFFFFC000  }
0x52: {  	[tilespmem:s18], [sflag:$0x1] =	stream.indirect.gather [hbm4b:s4+s17], $0x80, s28, s17, $0xb8;
	[tilespmem:$0x1E800] =	vst v63  }
0x53: {  	s29 =	sadd.s32 $0x15480, s26  }
0x54: {  	[spmem:s2] =	stream.indirect.scatter.add.f32 [tilespmem:s20], [sflag:$0x3], $0x80, s29, s17, $0xb8;
	[tilespmem:$0x1E800] =	vst v63  }
0x55: {  	_ =	swait.ge [sflag:s14], $0x4000  }
0x56: {  	[sflag:s14] =	ssyncset.done $0x0  }
0x57: {  	[sflag:s14] =	ssyncadd.s32 $0xFFFFC000  }
0x58: {  	_ =	swait.ge [sflag:s19], $0x4000  }
0x59: {  	[sflag:s19] =	ssyncset.done $0x0  }
0x5a: {  	[sflag:s19] =	ssyncadd.s32 $0xFFFFC000  }
0x5b: {  	[tilespmem:s20], [sflag:$0x2] =	stream.indirect.gather [hbm4b:s4+s17], $0x80, s22, s17, $0xb8;
	[tilespmem:$0x1E800] =	vst v63  }
0x5c: {  	_ = 	snop  }
0x5d: {  	[spmem:s2] =	stream.indirect.scatter.add.f32 [tilespmem:s18], [sflag:$0x3], $0x80, s23, s17, $0xb8;
	[tilespmem:$0x1E800] =	vst v63  }
0x5e: {  	_ =	swait.ge [sflag:s14], $0x4000  }
0x5f: {  	[sflag:s14] =	ssyncset.done $0x0  }
0x60: {  	[sflag:s14] =	ssyncadd.s32 $0xFFFFC000  }
0x61: {  	_ =	swait.ge [sflag:s21], $0x4000  }
0x62: {  	[sflag:s21] =	ssyncset.done $0x0  }
0x63: {  	[sflag:s21] =	ssyncadd.s32 $0xFFFFC000  }
0x64: {  	[spmem:s2] =	stream.indirect.scatter.add.f32 [tilespmem:s20], [sflag:$0x3], $0x80, s24, s17, $0xb8;
	[tilespmem:$0x1E800] =	vst v63  }
0x65: {  	_ =	swait.ge [sflag:s14], $0x4000  }
0x66: {  	[sflag:s14] =	ssyncset.done $0x0  }
0x67: {  	s30 =	simm.s32 $0x0;
	[sflag:s14] =	ssyncadd.s32 $0xFFFFC000  }
0x68: {  	[tilespmem:s15], [sflag:$0x3] =	stream.linear.gather [hbm4b:s9+s30], $0x1400, $0x38;
	[tilespmem:$0x1E800] =	vst v63  }
0x69: {  	_ =	swait.ge [sflag:s14], $0x1400  }
0x6a: {  	[sflag:s14] =	ssyncset.done $0x0  }
0x6b: {  	[sflag:s14] =	ssyncadd.s32 $0xFFFFEC00  }
0x6c: {  	[tilespmem:s16], [sflag:$0x3] =	stream.linear.gather [hbm4b:s10+s30], $0x1400, $0x38;
	[tilespmem:$0x1E800] =	vst v63  }
0x6d: {  	_ =	swait.ge [sflag:s14], $0x1400  }
0x6e: {  	[sflag:s14] =	ssyncset.done $0x0  }
0x6f: {  	[sflag:s14] =	ssyncadd.s32 $0xFFFFEC00  }
0x70: {  	[tilespmem:s18], [sflag:$0x1] =	stream.indirect.gather [hbm4b:s4+s17], $0x80, s15, s17, $0xb8;
	[tilespmem:$0x1E800] =	vst v63  }
0x71: {  	_ =	swait.ge [sflag:s19], $0x4000  }
0x72: {  	[sflag:s19] =	ssyncset.done $0x0  }
0x73: {  	s31 =	simm.s32 $0x14080;
	[sflag:s19] =	ssyncadd.s32 $0xFFFFC000  }
0x74: {  	[tilespmem:s20], [sflag:$0x2] =	stream.indirect.gather [hbm4b:s4+s17], $0x80, s31, s17, $0xb8;
	[tilespmem:$0x1E800] =	vst v63  }
0x75: {  	s29 =	simm.s32 $0x15400  }
0x76: {  	[spmem:s2] =	stream.indirect.scatter.add.f32 [tilespmem:s18], [sflag:$0x3], $0x80, s29, s17, $0xb8;
	[tilespmem:$0x1E800] =	vst v63  }
0x77: {  	_ =	swait.ge [sflag:s14], $0x4000  }
0x78: {  	[sflag:s14] =	ssyncset.done $0x0  }
0x79: {  	[sflag:s14] =	ssyncadd.s32 $0xFFFFC000  }
0x7a: {  	_ =	swait.ge [sflag:s21], $0x4000  }
0x7b: {  	[sflag:s21] =	ssyncset.done $0x0  }
0x7c: {  	s30 =	simm.s32 $0x14100;
	[sflag:s21] =	ssyncadd.s32 $0xFFFFC000  }
0x7d: {  	[tilespmem:s18], [sflag:$0x1] =	stream.indirect.gather [hbm4b:s4+s17], $0x80, s30, s17, $0xb8;
	[tilespmem:$0x1E800] =	vst v63  }
0x7e: {  	s31 =	simm.s32 $0x15480  }
0x7f: {  	[spmem:s2] =	stream.indirect.scatter.add.f32 [tilespmem:s20], [sflag:$0x3], $0x80, s31, s17, $0xb8;
	[tilespmem:$0x1E800] =	vst v63  }
0x80: {  	_ =	swait.ge [sflag:s14], $0x4000  }
0x81: {  	[sflag:s14] =	ssyncset.done $0x0  }
0x82: {  	[sflag:s14] =	ssyncadd.s32 $0xFFFFC000  }
0x83: {  	_ =	swait.ge [sflag:s19], $0x4000  }
0x84: {  	s26 =	simm.s32 $0x100;
	s28 =	simm.s32 $0x800;
	[sflag:s19] =	ssyncset.done $0x0  }
.LBB2_4:
0x85: {  	s29 =	sadd.s32 $0x14080, s26  }
0x86: {  	[sflag:s19] =	ssyncadd.s32 $0xFFFFC000;
	s30 =	smov.u32 s28;
	s31 =	sadd.s32 $0x400, s28  }
0x87: {  	[tilespmem:s20], [sflag:$0x2] =	stream.indirect.gather [hbm4b:s4+s17], $0x80, s29, s17, $0xb8;
	[tilespmem:$0x1E800] =	vst v63  }
0x88: {  	p0 =	sne.s32 s28, $0x4800;
	s28 =	sadd.s32 $0x15400, s26  }
0x89: {  	[spmem:s2] =	stream.indirect.scatter.add.f32 [tilespmem:s18], [sflag:$0x3], $0x80, s28, s17, $0xb8;
	[tilespmem:$0x1E800] =	vst v63  }
0x8a: {  	_ =	swait.ge [sflag:s14], $0x4000  }
0x8b: {  	[sflag:s14] =	ssyncset.done $0x0  }
0x8c: {  	[sflag:s14] =	ssyncadd.s32 $0xFFFFC000  }
0x8d: {  	_ =	swait.ge [sflag:s21], $0x4000  }
0x8e: {  	[sflag:s21] =	ssyncset.done $0x0  }
0x8f: {  	s28 =	sadd.s32 $0x14100, s26;
	[sflag:s21] =	ssyncadd.s32 $0xFFFFC000  }
0x90: {  	[tilespmem:s18], [sflag:$0x1] =	stream.indirect.gather [hbm4b:s4+s17], $0x80, s28, s17, $0xb8;
	[tilespmem:$0x1E800] =	vst v63  }
0x91: {  	s26 =	sadd.s32 $0x15480, s26  }
0x92: {  	[spmem:s2] =	stream.indirect.scatter.add.f32 [tilespmem:s20], [sflag:$0x3], $0x80, s26, s17, $0xb8;
	[tilespmem:$0x1E800] =	vst v63  }
.Ltmp1:
0x93: {  	_ =	swait.ge [sflag:s14], $0x4000;
	(pc) =	sbr.rel @p0 .LBB2_4-.Ltmp1, $4  }
0x94: {  	[sflag:s14] =	ssyncset.done $0x0  }
0x95: {  	[sflag:s14] =	ssyncadd.s32 $0xFFFFC000  }
0x96: {  	_ =	swait.ge [sflag:s19], $0x4000  }
0x97: {  	s28 =	smov.u32 s31;
	s26 =	sshra.s32 s30, $0x2;
	[sflag:s19] =	ssyncset.done $0x0  }
0x98: {  	s28 =	sadd.s32 $0x14080, s26;
	[sflag:s19] =	ssyncadd.s32 $0xFFFFC000  }
0x99: {  	[tilespmem:s20], [sflag:$0x2] =	stream.indirect.gather [hbm4b:s4+s17], $0x80, s28, s17, $0xb8;
	[tilespmem:$0x1E800] =	vst v63  }
0x9a: {  	s29 =	sadd.s32 $0x15400, s26  }
0x9b: {  	[spmem:s2] =	stream.indirect.scatter.add.f32 [tilespmem:s18], [sflag:$0x3], $0x80, s29, s17, $0xb8;
	[tilespmem:$0x1E800] =	vst v63  }
0x9c: {  	_ =	swait.ge [sflag:s14], $0x4000  }
0x9d: {  	[sflag:s14] =	ssyncset.done $0x0  }
0x9e: {  	[sflag:s14] =	ssyncadd.s32 $0xFFFFC000  }
0x9f: {  	_ =	swait.ge [sflag:s21], $0x4000  }
0xa0: {  	[sflag:s21] =	ssyncset.done $0x0  }
0xa1: {  	s30 =	sadd.s32 $0x14100, s26;
	[sflag:s21] =	ssyncadd.s32 $0xFFFFC000  }
0xa2: {  	[tilespmem:s18], [sflag:$0x1] =	stream.indirect.gather [hbm4b:s4+s17], $0x80, s30, s17, $0xb8;
	[tilespmem:$0x1E800] =	vst v63  }
0xa3: {  	s31 =	sadd.s32 $0x15480, s26  }
0xa4: {  	[spmem:s2] =	stream.indirect.scatter.add.f32 [tilespmem:s20], [sflag:$0x3], $0x80, s31, s17, $0xb8;
	[tilespmem:$0x1E800] =	vst v63  }
0xa5: {  	_ =	swait.ge [sflag:s14], $0x4000  }
0xa6: {  	[sflag:s14] =	ssyncset.done $0x0  }
0xa7: {  	[sflag:s14] =	ssyncadd.s32 $0xFFFFC000  }
0xa8: {  	_ =	swait.ge [sflag:s19], $0x4000  }
0xa9: {  	[sflag:s19] =	ssyncset.done $0x0  }
0xaa: {  	[sflag:s19] =	ssyncadd.s32 $0xFFFFC000  }
0xab: {  	[tilespmem:s20], [sflag:$0x2] =	stream.indirect.gather [hbm4b:s4+s17], $0x80, s22, s17, $0xb8;
	[tilespmem:$0x1E800] =	vst v63  }
0xac: {  	_ = 	snop  }
0xad: {  	[spmem:s2] =	stream.indirect.scatter.add.f32 [tilespmem:s18], [sflag:$0x3], $0x80, s23, s17, $0xb8;
	[tilespmem:$0x1E800] =	vst v63  }
0xae: {  	_ =	swait.ge [sflag:s14], $0x4000  }
0xaf: {  	[sflag:s14] =	ssyncset.done $0x0  }
0xb0: {  	[sflag:s14] =	ssyncadd.s32 $0xFFFFC000  }
0xb1: {  	_ =	swait.ge [sflag:s21], $0x4000  }
0xb2: {  	[sflag:s21] =	ssyncset.done $0x0  }
0xb3: {  	[sflag:s21] =	ssyncadd.s32 $0xFFFFC000  }
0xb4: {  	[spmem:s2] =	stream.indirect.scatter.add.f32 [tilespmem:s20], [sflag:$0x3], $0x80, s24, s17, $0xb8;
	[tilespmem:$0x1E800] =	vst v63  }
0xb5: {  	_ =	swait.ge [sflag:s14], $0x4000  }
0xb6: {  	s25 =	sadd.s32 $0x1, s25;
	[sflag:s14] =	ssyncset.done $0x0  }
0xb7: {  	p0 =	sne.s32 s25, s12;
	[sflag:s14] =	ssyncadd.s32 $0xFFFFC000  }
.Ltmp2:
0xb8: {  	[bflag:$0x0] =	sbarrier.arrive $0xFFFF;
	(pc) =	sbr.rel @p0 .LBB2_1-.Ltmp2, $4  }
0xb9: {  	[hbm:s11], [sflag:s6] =	dma.local [spmem:s13], $0x2800  }
0xba: {  	_ =	swait.ge [sflag:s14], $0x2800  }
0xbb: {  	[sflag:s14] =	ssyncset.done $0x0  }
0xbc: {  	[sflag:s14] =	ssyncadd.s32 $0xFFFFD800  }
0xbd: {  	_ =	sfence.sel $0x180000  }
0xbe: {  	[bflag:$0x0] =	sbarrier.arrive $0xFFFF  }
0xbf: {  	p0 =	sne.s32 s1, $0x0;
	_ =	strace $0x9000004A  }
0xc0: {  	s0 =	sadd.s32 @!p0 $0x100000, s0;
	[bflag:$0x2] =	sbarrier.arrive $0xFFFF  }
0xc1: {  	[sflag:s0] =	ssyncadd.tile.s32 @!p0 $0x1;
	_ =	shalt  }
.Lfunc_end2:
_tile_overlayer_lowered:
.L_overlay_start_2:
0xc2: {  	(tag) =	ssettag $0x2  }
0xc3: {  	s0 =	rddreg [dreg:$0x0];
	s2 =	stileid.u32  }
0xc4: {  	s1 =	rddreg [dreg:$0x1];
	p0 =	sne.s32 s2, $0x0  }
0xc5: {  	s3 =	rddreg [dreg:$0x2];
	[bflag:$0x3] =	sbarrier.arrive $0xFFFF;
	s2 =	simm.s32 @!p0 $0x1C03  }
0xc6: {  	[timem:s3], [sflag:s2] =	dma.local @!p0 [hbm:s0], s1  }
0xc7: {  	s0 =	simm.s32 @!p0 $0x3  }
0xc8: {  	_ =	swait.ge @!p0 [sflag:s0], s1  }
0xc9: {  	s1 =	ssub.s32 @!p0 $0x0, s1;
	[sflag:s0] =	ssyncset.done @!p0 $0x0  }
0xca: {  	[sflag:s0] =	ssyncadd.s32 @!p0 s1  }
0xcb: {  	[bflag:$0x3] =	sbarrier.arrive $0xFFFF  }
0xcc: {  	_ =	shalt  }

// kernel: kernel.15.cloned.1.call-start
scs
__scs_entry_jumppad:
0x0: {  	(pc) =	sbr.rel $0x88, $3  }
0x1: {  	(tag) =	ssettag $0x0;
	lr =	simm.s32 $0x1  }
0x2: {  	[smem:$0x3F9B] =	sst lr;
	_ =	strace $0xD0000000  }
0x3: {  	_ = 	snop  }
0x4: {  	_ = 	snop  }
0x5: {  	_ = 	snop  }
0x6: {  	_ = 	snop  }
0x7: {  	_ = 	snop  }
__scs_overlays_trampoline_lowered:
0x8: {  	[smem:$0x3FAA] =	sst s0  }
0x9: {  	[smem:$0x3FAB] =	sst s1  }
0xa: {  	[smem:$0x3FAC] =	sst s2  }
0xb: {  	[smem:$0x3FAD] =	sst s3  }
0xc: {  	[smem:$0x3FAE] =	sst s4  }
0xd: {  	[smem:$0x3FAF] =	sst s5  }
0xe: {  	[smem:$0x3FB0] =	sst s6  }
0xf: {  	[smem:$0x3FB1] =	sst s7  }
0x10: {  	[smem:$0x3FB2] =	sst s8  }
0x11: {  	[smem:$0x3FB3] =	sst s9;
	s0 =	simm.s32 @!p0 $0x0  }
0x12: {  	s1 =	sld [smem:$0x3F99];
	s0 =	simm.s32 @p0 $0x1  }
0x13: {  	[smem:$0x3FB4] =	sst s0;
	s0 =	simm.s32 @!p1 $0x0  }
0x14: {  	s2 =	sld [smem:$0x3F98];
	s0 =	simm.s32 @p1 $0x1  }
0x15: {  	[smem:$0x3FB5] =	sst s0;
	s0 =	simm.s32 @!p2 $0x0  }
0x16: {  	s3 =	sld [smem:$0x3FDB];
	s0 =	simm.s32 @p2 $0x1  }
0x17: {  	s4 =	simm.s32 $0x1BF5;
	[smem:$0x3FB7] =	sst s0  }
0x18: {  	s0 =	sld [smem:$0x3F9A];
	_ =	swait.ge [sflag:s4], $0x0  }
0x19: {  	s7 =	sld [smem:$0x3F9B]  }
0x1a: {  	s8 =	sadd.s32 $0xFFFFE003, lr  }
0x1b: {  	s9 =	sadd.s32 $0xFFFFFEF7, lr;
	s5 =	simm.s32 $0xFFFFFFFF;
	p2 =	slt.u32 s8, $0xFFFFF086  }
0x1c: {  	p1 =	slt.u32 s9, $0xF7A;
	s5 =	simm.s32 @!p2 $0x0  }
0x1d: {  	s5 =	simm.s32 @p1 $0x1;
	p0 =	seq.s32 s7, s2  }
0x1e: {  	s7 =	smul.u32 @!p0 $0xF7A, s2;
	p2 =	seq.s32 @!p0 s5, $0x0  }
0x1f: {  	s9 =	smul.u32 $0xF7A, s1;
	s8 =	simm.s32 @!p0 $0x1BF5;
	p2 =	por !p2, p0  }
0x20: {  	[sflag:s8] =	ssyncset.s32 @!p0 $0xFFFFF086;
	s6 =	sadd.s32 @!p0 s3, s7;
	s7 =	simm.s32 @!p0 $0x108  }
0x21: {  	s3 =	sadd.s32 s3, s9;
	s6 =	sadd.s32 @!p0 $0x88, s6;
	s7 =	simm.s32 @p2 $0x1082  }
0x22: {  	[simem:s7], [sflag:s8] =	dma.local @!p0 [hbm:s6], $0xF7A  }
0x23: {  	s9 =	sor.u32 $0xD0000000, s2;
	s6 =	simm.s32 $0x108;
	_ =	swait.ge @!p0 [sflag:s8], $0x0  }
0x24: {  	s3 =	sadd.s32 $0x88, s3;
	s6 =	simm.s32 @!p1 $0x1082;
	[sflag:s4] =	ssyncset.s32 $0xFFFFF086  }
0x25: {  	[simem:s6], [sflag:s4] =	dma.local [hbm:s3], $0xF7A  }
0x26: {  	[smem:$0x3F9B] =	sst s1;
	(tag) =	ssettag s2;
	_ =	strace s9  }
0x27: {  	s1 =	sld [smem:$0x3FAB]  }
0x28: {  	s2 =	sld [smem:$0x3FAC]  }
0x29: {  	s4 =	sld [smem:$0x3FAE]  }
0x2a: {  	p0 =	seq.s32 s5, $0x0;
	s5 =	sld [smem:$0x3FAF]  }
0x2b: {  	s6 =	sld [smem:$0x3FB0]  }
0x2c: {  	s7 =	sld [smem:$0x3FB1]  }
0x2d: {  	s3 =	simm.s32 $0x108;
	s8 =	sld [smem:$0x3FB2]  }
0x2e: {  	s3 =	simm.s32 @!p0 $0x1082;
	s9 =	sld [smem:$0x3FB3]  }
0x2f: {  	lr =	sadd.s32 s0, s3;
	s0 =	sld [smem:$0x3FAA]  }
0x30: {  	s3 =	sld [smem:$0x3FAD]  }
0x31: {  	[smem:$0x3FB6] =	sst s10  }
0x32: {  	s10 =	sld [smem:$0x3FB4];
	_ =	sdelay $0x3  }
0x33: {  	p0 =	seq.s32 s10, $0x1;
	s10 =	sld [smem:$0x3FB6];
	_ =	sdelay $0x3  }
0x34: {  	[smem:$0x3FB6] =	sst s10  }
0x35: {  	s10 =	sld [smem:$0x3FB5];
	_ =	sdelay $0x3  }
0x36: {  	p1 =	seq.s32 s10, $0x1;
	s10 =	sld [smem:$0x3FB6];
	_ =	sdelay $0x3  }
0x37: {  	[smem:$0x3FB6] =	sst s10  }
0x38: {  	s10 =	sld [smem:$0x3FB7]  }
0x39: {  	_ = 	snop;
	(pc) =	sbr.ind lr, $3  }
0x3a: {  	_ = 	snop  }
0x3b: {  	_ = 	snop  }
0x3c: {  	p2 =	seq.s32 s10, $0x1;
	s10 =	sld [smem:$0x3FB6]  }
0x3d: {  	_ =	shalt  }
0x3e: {  	_ =	shalt  }
0x3f: {  	_ =	shalt  }
0x40: {  	_ =	shalt  }
0x41: {  	_ =	shalt  }
0x42: {  	_ =	shalt  }
0x43: {  	_ =	shalt  }
0x44: {  	_ =	shalt  }
0x45: {  	_ =	shalt  }
0x46: {  	_ =	shalt  }
0x47: {  	_ =	shalt  }
0x48: {  	_ =	shalt  }
0x49: {  	_ =	shalt  }
0x4a: {  	_ =	shalt  }
0x4b: {  	_ =	shalt  }
0x4c: {  	_ =	shalt  }
0x4d: {  	_ =	shalt  }
0x4e: {  	_ =	shalt  }
0x4f: {  	_ =	shalt  }
0x50: {  	_ =	shalt  }
0x51: {  	_ =	shalt  }
0x52: {  	_ =	shalt  }
0x53: {  	_ =	shalt  }
0x54: {  	_ =	shalt  }
0x55: {  	_ =	shalt  }
0x56: {  	_ =	shalt  }
0x57: {  	_ =	shalt  }
0x58: {  	_ =	shalt  }
0x59: {  	_ =	shalt  }
0x5a: {  	_ =	shalt  }
0x5b: {  	_ =	shalt  }
0x5c: {  	_ =	shalt  }
0x5d: {  	_ =	shalt  }
0x5e: {  	_ =	shalt  }
0x5f: {  	_ =	shalt  }
0x60: {  	_ =	shalt  }
0x61: {  	_ =	shalt  }
0x62: {  	_ =	shalt  }
0x63: {  	_ =	shalt  }
0x64: {  	_ =	shalt  }
0x65: {  	_ =	shalt  }
0x66: {  	_ =	shalt  }
0x67: {  	_ =	shalt  }
0x68: {  	_ =	shalt  }
0x69: {  	_ =	shalt  }
0x6a: {  	_ =	shalt  }
0x6b: {  	_ =	shalt  }
0x6c: {  	_ =	shalt  }
0x6d: {  	_ =	shalt  }
0x6e: {  	_ =	shalt  }
0x6f: {  	_ =	shalt  }
0x70: {  	_ =	shalt  }
0x71: {  	_ =	shalt  }
0x72: {  	_ =	shalt  }
0x73: {  	_ =	shalt  }
0x74: {  	_ =	shalt  }
0x75: {  	_ =	shalt  }
0x76: {  	_ =	shalt  }
0x77: {  	_ =	shalt  }
0x78: {  	_ =	shalt  }
0x79: {  	_ =	shalt  }
0x7a: {  	_ =	shalt  }
0x7b: {  	_ =	shalt  }
0x7c: {  	_ =	shalt  }
0x7d: {  	_ =	shalt  }
0x7e: {  	_ =	shalt  }
0x7f: {  	_ =	shalt  }
0x80: {  	_ =	shalt  }
0x81: {  	_ =	shalt  }
0x82: {  	_ =	shalt  }
0x83: {  	_ =	shalt  }
0x84: {  	_ =	shalt  }
0x85: {  	_ =	shalt  }
0x86: {  	_ =	shalt  }
0x87: {  	_ =	shalt  }
.Lfunc_end0:
.L_simem_size_0:
called_computation.2_lowered:
.L_overlay_start_0:
0x88: {  	s2 =	sld [smem:$0x3FD9]  }
0x89: {  	s3 =	sld [smem:$0x3FFE];
	_ =	sdelay $0x1  }
0x8a: {  	s1 =	srdreg.scid  }
0x8b: {  	s0 =	sand.u32 $0x1, s1  }
0x8c: {  	s16 =	sshll.u32 s0, $0xA;
	s2 =	sadd.s32 s3, s2  }
0x8d: {  	s2 =	sadd.s32 s2, s16  }
0x8e: {  	[smem:$0x3FC2] =	sst s2  }
0x8f: {  	_ = 	snop  }
0x90: {  	(tm) =	ssettm $0x1  }
0x91: {  	s17 =	sld [smem:$0x3FFB];
	_ =	sdelay $0x3  }
0x92: {  	_ =	strace s17  }
0x93: {  	s2 =	sld [smem:$0x3FFC];
	_ =	sdelay $0x3  }
0x94: {  	_ =	strace s2  }
0x95: {  	s2 =	sld [smem:$0x3FFD];
	_ =	sdelay $0x3  }
0x96: {  	_ =	strace s2  }
0x97: {  	_ =	strace $0x8FFFFFFF  }
0x98: {  	s18 =	sld [smem:$0x3FDB];
	_ =	sdelay $0x1  }
0x99: {  	s19 =	simm.s32 $_scs_section_size  }
0x9a: {  	s4 =	simm.s32 $_size__tile_overlayer_lowered;
	s5 =	simm.s32 $_tile_overlayer_lowered  }
0x9b: {  	s22 =	simm.s32 $0x1BFF;
	s21 =	sshll.u32 s5, $0x1;
	s2 =	sadd.s32 s19, s18  }
0x9c: {  	s6 =	simm.s32 $0x0;
	s20 =	sshll.u32 s4, $0x1;
	s4 =	sadd.s32 s21, s2  }
0x9d: {  	[timem:s6], [sflag:s22] =	dma.local [hbm:s4], s20  }
0x9e: {  	_ =	swait.ge [sflag:s22], s20  }
0x9f: {  	s3 =	ssub.s32 $0x0, s20;
	[sflag:s22] =	ssyncset.done $0x0  }
0xa0: {  	[sflag:s22] =	ssyncadd.s32 s3;
	_ =	sdelay $0x1  }
0xa1: {  	s23 =	simm.s32 $0x1B8B  }
0xa2: {  	_ =	swait.ge [sflag:s23], $0x1  }
0xa3: {  	[sflag:s23] =	ssyncset.done $0x0  }
0xa4: {  	s25 =	simm.s32 $0x1B8E;
	s24 =	sld [smem:$0x3FFE];
	[sflag:s23] =	ssyncadd.s32 $0xFFFFFFFF  }
0xa5: {  	s26 =	simm.s32 $execute0_lowered;
	[smem:$0x3FD2] =	sst s25  }
0xa6: {  	s4 =	sshll.u32 s26, $0x1;
	_ =	strace $0x8000004C;
	[dreg:$0x1] =	wrdreg $0xFFFFFFFF  }
0xa7: {  	s28 =	simm.s32 $_size_execute0_lowered;
	s2 =	sadd.s32 s2, s4;
	[dreg:$0x0] =	wrdreg $0x0  }
0xa8: {  	s4 =	sshll.u32 s28, $0x1;
	[dreg:$0x2] =	wrdreg s2  }
0xa9: {  	[dreg:$0x3] =	wrdreg s4  }
0xaa: {  	[dreg:$0x4] =	wrdreg $0xC0  }
0xab: {  	_ =	task [dreg:s6], $0x5FFFF  }
0xac: {  	[dreg:$0x1] =	wrdreg $0xFFFFFFFF  }
0xad: {  	[dreg:$0x0] =	wrdreg $0x60  }
0xae: {  	[dreg:$0x2] =	wrdreg s24  }
0xaf: {  	[dreg:$0x3] =	wrdreg $0x0  }
0xb0: {  	[dreg:$0x4] =	wrdreg $0x9  }
0xb1: {  	_ =	task.clear_ibuf [dreg:s6], $0x5FFFF;
	_ =	strace $0x9000004C  }
0xb2: {  	s29 =	simm.s32 $0x9;
	_ =	strace $0x8000004E  }
0xb3: {  	_ =	swait.ge [sflag:s29], $0x1  }
0xb4: {  	[sflag:s29] =	ssyncadd.s32 $0xFFFFFFFF  }
0xb5: {  	_ =	strace $0x9000004E  }
0xb6: {  	_ =	sfence  }
0xb7: {  	s30 =	sld [smem:$0x0];
	_ =	sdelay $0x2  }
0xb8: {  	s31 =	sshll.u32 s1, $0xD;
	s1 =	sshrl.u32 s1, $0x2  }
0xb9: {  	s3 =	sand.u32 $0x4000, s31;
	s1 =	sadd.s32 s1, s30  }
0xba: {  	s0 =	sor.u32 s3, s0;
	s1 =	sshll.u32 s1, $0x11  }
0xbb: {  	s0 =	sor.u32 s1, s0  }
0xbc: {  	s0 =	sadd.s32 $0x8F2B, s0  }
0xbd: {  	[sflag:s0] =	ssyncadd.remote.s32 $0x1  }
0xbe: {  	_ =	sfence.sel $0xFFFF  }
0xbf: {  	[dreg:$0x0] =	wrdreg $0xFFFFFFFF;
	(pc) =	sbr.abs _section_cstart, $3  }
0xc0: {  	[dreg:$0x1] =	wrdreg $0xFFFFFFFF  }
0xc1: {  	_ =	task.clear_ibuf [dreg:s6], $0x2FFFF;
	_ =	strace $0x9FFFFFFF  }
0xc2: {  	(tm) =	ssettm $0x7FFFFFFF  }
0xc3: {  	_ =	shalt  }
tec
execute0_lowered:
.L_overlay_start_1:
0x0: {  	(tag) =	ssettag $0x1  }
0x1: {  	s5 =	rddreg [dreg:$0x0]  }
0x2: {  	s2 =	rddreg [dreg:$0x1]  }
0x3: {  	s0 =	srdreg.scid;
	s1 =	rddreg [dreg:$0x2];
	s3 =	simm.s32 $0x0  }
0x4: {  	s14 =	simm.s32 $0x15400;
	s15 =	simm.s32 $0x80;
	s16 =	simm.s32 $0x16800  }
0x5: {  	s17 =	simm.s32 $0x1;
	s18 =	simm.s32 $0x1A800;
	s6 =	sand.u32 $0x1, s0  }
0x6: {  	s19 =	simm.s32 $0x2;
	s0 =	stileid.u32;
	s4 =	smul.u32 $0x280, s6  }
0x7: {  	s20 =	simm.s32 $0x15380;
	s21 =	simm.s32 $0x16700;
	s7 =	smul.u32 $0x28, s0  }
0x8: {  	s22 =	simm.s32 $0x16780;
	[smem:$0x7FF] =	sst s3;
	s8 =	smul.u32 $0x14000, s0  }
0x9: {  	s23 =	simm.s32 $0x0;
	s9 =	smul.u32 $0x140000, s6;
	_ =	strace $0x8000004D  }
0xa: {  	s6 =	ssub.s32 $0x2, s6;
	s10 =	smul.u32 $0x50000, s0;
	s31 =	sshll.u32 s0, $0x6  }
0xb: {  	s28 =	sshrl.u32 s6, $0x1;
	s7 =	sadd.s32 s7, s4;
	s4 =	sadd.s32 $0xBE00, s5  }
0xc: {  	s9 =	sadd.s32 s8, s9;
	s12 =	ssub.s32 s6, s28;
	s29 =	sshrl.u32 s10, $0x2  }
0xd: {  	s30 =	sshrl.u32 s8, $0x3;
	s6 =	sor.u32 $0x1C03, s31;
	s7 =	sshll.u32 s7, $0x4  }
0xe: {  	s9 =	sshrl.u32 s9, $0x3;
	s13 =	sadd.s32 s29, s2;
	s10 =	smax.u32 s12, $0x1  }
0xf: {  	s12 =	simm.s32 $0x3;
	s11 =	sadd.s32 s7, s5;
	s9 =	sadd.s32 s9, s5  }
0x10: {  	s5 =	sadd.s32 s4, s30;
	s7 =	sadd.s32 $0x1E00, s11;
	s8 =	sadd.s32 $0x6E00, s11  }
0x11: {  	s9 =	sadd.s32 $0x33E00, s9;
	s11 =	sshrl.u32 s13, $0x3;
	s13 =	simm.s32 $0x14000  }
.LBB2_1:
0x12: {  	[spmem:s11], [sflag:s6] =	dma.local [hbm:s5], $0x2800  }
0x13: {  	_ =	swait.ge [sflag:s12], $0x2800  }
0x14: {  	[sflag:s12] =	ssyncset.done $0x0  }
0x15: {  	[sflag:s12] =	ssyncadd.s32 $0xFFFFD800  }
0x16: {  	[bflag:$0x0] =	sbarrier.arrive $0xFFFF  }
0x17: {  	[tilespmem:s13], [sflag:$0x3] =	stream.linear.gather [hbm4b:s7+s3], $0x1400, $0x38;
	[tilespmem:$0x1E800] =	vst v63  }
0x18: {  	_ =	swait.ge [sflag:s12], $0x1400  }
0x19: {  	[sflag:s12] =	ssyncset.done $0x0  }
0x1a: {  	[sflag:s12] =	ssyncadd.s32 $0xFFFFEC00  }
0x1b: {  	[tilespmem:s14], [sflag:$0x3] =	stream.linear.gather [hbm4b:s8+s3], $0x1400, $0x38;
	[tilespmem:$0x1E800] =	vst v63  }
0x1c: {  	_ =	swait.ge [sflag:s12], $0x1400  }
0x1d: {  	[sflag:s12] =	ssyncset.done $0x0  }
0x1e: {  	[sflag:s12] =	ssyncadd.s32 $0xFFFFEC00  }
0x1f: {  	[tilespmem:s16], [sflag:$0x1] =	stream.indirect.gather [hbm4b:s4+s15], $0x80, s13, s15, $0xb8;
	[tilespmem:$0x1E800] =	vst v63  }
0x20: {  	_ =	swait.ge [sflag:s17], $0x4000  }
0x21: {  	[sflag:s17] =	ssyncset.done $0x0  }
0x22: {  	s24 =	simm.s32 $0x14080;
	[sflag:s17] =	ssyncadd.s32 $0xFFFFC000  }
0x23: {  	[tilespmem:s18], [sflag:$0x2] =	stream.indirect.gather [hbm4b:s4+s15], $0x80, s24, s15, $0xb8;
	[tilespmem:$0x1E800] =	vst v63  }
0x24: {  	s29 =	simm.s32 $0x15400  }
0x25: {  	[spmem:s2] =	stream.indirect.scatter.add.f32 [tilespmem:s16], [sflag:$0x3], $0x80, s29, s15, $0xb8;
	[tilespmem:$0x1E800] =	vst v63  }
0x26: {  	_ =	swait.ge [sflag:s12], $0x4000  }
0x27: {  	[sflag:s12] =	ssyncset.done $0x0  }
0x28: {  	[sflag:s12] =	ssyncadd.s32 $0xFFFFC000  }
0x29: {  	_ =	swait.ge [sflag:s19], $0x4000  }
0x2a: {  	[sflag:s19] =	ssyncset.done $0x0  }
0x2b: {  	s30 =	simm.s32 $0x14100;
	[sflag:s19] =	ssyncadd.s32 $0xFFFFC000  }
0x2c: {  	[tilespmem:s16], [sflag:$0x1] =	stream.indirect.gather [hbm4b:s4+s15], $0x80, s30, s15, $0xb8;
	[tilespmem:$0x1E800] =	vst v63  }
0x2d: {  	s31 =	simm.s32 $0x15480  }
0x2e: {  	[spmem:s2] =	stream.indirect.scatter.add.f32 [tilespmem:s18], [sflag:$0x3], $0x80, s31, s15, $0xb8;
	[tilespmem:$0x1E800] =	vst v63  }
0x2f: {  	_ =	swait.ge [sflag:s12], $0x4000  }
0x30: {  	[sflag:s12] =	ssyncset.done $0x0  }
0x31: {  	[sflag:s12] =	ssyncadd.s32 $0xFFFFC000  }
0x32: {  	_ =	swait.ge [sflag:s17], $0x4000  }
0x33: {  	s25 =	simm.s32 $0x800;
	s24 =	simm.s32 $0x100;
	[sflag:s17] =	ssyncset.done $0x0  }
.LBB2_2:
0x34: {  	s26 =	sadd.s32 $0x14080, s24  }
0x35: {  	[sflag:s17] =	ssyncadd.s32 $0xFFFFC000;
	s28 =	smov.u32 s25;
	s29 =	sadd.s32 $0x400, s25  }
0x36: {  	[tilespmem:s18], [sflag:$0x2] =	stream.indirect.gather [hbm4b:s4+s15], $0x80, s26, s15, $0xb8;
	[tilespmem:$0x1E800] =	vst v63  }
0x37: {  	p0 =	sne.s32 s25, $0x4800;
	s25 =	sadd.s32 $0x15400, s24  }
0x38: {  	[spmem:s2] =	stream.indirect.scatter.add.f32 [tilespmem:s16], [sflag:$0x3], $0x80, s25, s15, $0xb8;
	[tilespmem:$0x1E800] =	vst v63  }
0x39: {  	_ =	swait.ge [sflag:s12], $0x4000  }
0x3a: {  	[sflag:s12] =	ssyncset.done $0x0  }
0x3b: {  	[sflag:s12] =	ssyncadd.s32 $0xFFFFC000  }
0x3c: {  	_ =	swait.ge [sflag:s19], $0x4000  }
0x3d: {  	[sflag:s19] =	ssyncset.done $0x0  }
0x3e: {  	s25 =	sadd.s32 $0x14100, s24;
	[sflag:s19] =	ssyncadd.s32 $0xFFFFC000  }
0x3f: {  	[tilespmem:s16], [sflag:$0x1] =	stream.indirect.gather [hbm4b:s4+s15], $0x80, s25, s15, $0xb8;
	[tilespmem:$0x1E800] =	vst v63  }
0x40: {  	s24 =	sadd.s32 $0x15480, s24  }
0x41: {  	[spmem:s2] =	stream.indirect.scatter.add.f32 [tilespmem:s18], [sflag:$0x3], $0x80, s24, s15, $0xb8;
	[tilespmem:$0x1E800] =	vst v63  }
.Ltmp0:
0x42: {  	_ =	swait.ge [sflag:s12], $0x4000;
	(pc) =	sbr.rel @p0 .LBB2_2-.Ltmp0, $4  }
0x43: {  	[sflag:s12] =	ssyncset.done $0x0  }
0x44: {  	[sflag:s12] =	ssyncadd.s32 $0xFFFFC000  }
0x45: {  	_ =	swait.ge [sflag:s17], $0x4000  }
0x46: {  	s25 =	smov.u32 s29;
	s24 =	sshra.s32 s28, $0x2;
	[sflag:s17] =	ssyncset.done $0x0  }
0x47: {  	s25 =	sadd.s32 $0x14080, s24;
	[sflag:s17] =	ssyncadd.s32 $0xFFFFC000  }
0x48: {  	[tilespmem:s18], [sflag:$0x2] =	stream.indirect.gather [hbm4b:s4+s15], $0x80, s25, s15, $0xb8;
	[tilespmem:$0x1E800] =	vst v63  }
0x49: {  	s29 =	sadd.s32 $0x15400, s24  }
0x4a: {  	[spmem:s2] =	stream.indirect.scatter.add.f32 [tilespmem:s16], [sflag:$0x3], $0x80, s29, s15, $0xb8;
	[tilespmem:$0x1E800] =	vst v63  }
0x4b: {  	_ =	swait.ge [sflag:s12], $0x4000  }
0x4c: {  	[sflag:s12] =	ssyncset.done $0x0  }
0x4d: {  	[sflag:s12] =	ssyncadd.s32 $0xFFFFC000  }
0x4e: {  	_ =	swait.ge [sflag:s19], $0x4000  }
0x4f: {  	[sflag:s19] =	ssyncset.done $0x0  }
0x50: {  	s30 =	sadd.s32 $0x14100, s24;
	[sflag:s19] =	ssyncadd.s32 $0xFFFFC000  }
0x51: {  	[tilespmem:s16], [sflag:$0x1] =	stream.indirect.gather [hbm4b:s4+s15], $0x80, s30, s15, $0xb8;
	[tilespmem:$0x1E800] =	vst v63  }
0x52: {  	s31 =	sadd.s32 $0x15480, s24  }
0x53: {  	[spmem:s2] =	stream.indirect.scatter.add.f32 [tilespmem:s18], [sflag:$0x3], $0x80, s31, s15, $0xb8;
	[tilespmem:$0x1E800] =	vst v63  }
0x54: {  	_ =	swait.ge [sflag:s12], $0x4000  }
0x55: {  	[sflag:s12] =	ssyncset.done $0x0  }
0x56: {  	[sflag:s12] =	ssyncadd.s32 $0xFFFFC000  }
0x57: {  	_ =	swait.ge [sflag:s17], $0x4000  }
0x58: {  	[sflag:s17] =	ssyncset.done $0x0  }
0x59: {  	[sflag:s17] =	ssyncadd.s32 $0xFFFFC000  }
0x5a: {  	[tilespmem:s18], [sflag:$0x2] =	stream.indirect.gather [hbm4b:s4+s15], $0x80, s20, s15, $0xb8;
	[tilespmem:$0x1E800] =	vst v63  }
0x5b: {  	_ = 	snop  }
0x5c: {  	[spmem:s2] =	stream.indirect.scatter.add.f32 [tilespmem:s16], [sflag:$0x3], $0x80, s21, s15, $0xb8;
	[tilespmem:$0x1E800] =	vst v63  }
0x5d: {  	_ =	swait.ge [sflag:s12], $0x4000  }
0x5e: {  	[sflag:s12] =	ssyncset.done $0x0  }
0x5f: {  	[sflag:s12] =	ssyncadd.s32 $0xFFFFC000  }
0x60: {  	_ =	swait.ge [sflag:s19], $0x4000  }
0x61: {  	[sflag:s19] =	ssyncset.done $0x0  }
0x62: {  	[sflag:s19] =	ssyncadd.s32 $0xFFFFC000  }
0x63: {  	[spmem:s2] =	stream.indirect.scatter.add.f32 [tilespmem:s18], [sflag:$0x3], $0x80, s22, s15, $0xb8;
	[tilespmem:$0x1E800] =	vst v63  }
0x64: {  	_ =	swait.ge [sflag:s12], $0x4000  }
0x65: {  	s23 =	sadd.s32 $0x1, s23;
	[sflag:s12] =	ssyncset.done $0x0  }
0x66: {  	p0 =	sne.s32 s23, s10;
	[sflag:s12] =	ssyncadd.s32 $0xFFFFC000  }
.Ltmp1:
0x67: {  	[bflag:$0x0] =	sbarrier.arrive $0xFFFF;
	(pc) =	sbr.rel @p0 .LBB2_1-.Ltmp1, $4  }
0x68: {  	[hbm:s9], [sflag:s6] =	dma.local [spmem:s11], $0x2800  }
0x69: {  	_ =	swait.ge [sflag:s12], $0x2800  }
0x6a: {  	[sflag:s12] =	ssyncset.done $0x0  }
0x6b: {  	[sflag:s12] =	ssyncadd.s32 $0xFFFFD800  }
0x6c: {  	_ =	sfence.sel $0x180000  }
0x6d: {  	[bflag:$0x0] =	sbarrier.arrive $0xFFFF  }
0x6e: {  	p0 =	sne.s32 s0, $0x0;
	_ =	strace $0x9000004D  }
0x6f: {  	s0 =	sadd.s32 @!p0 $0x100000, s1;
	[bflag:$0x2] =	sbarrier.arrive $0xFFFF  }
0x70: {  	[sflag:s0] =	ssyncadd.tile.s32 @!p0 $0x1;
	_ =	shalt  }
.Lfunc_end2:
_tile_overlayer_lowered:
.L_overlay_start_2:
0x71: {  	(tag) =	ssettag $0x2  }
0x72: {  	s0 =	rddreg [dreg:$0x0];
	s2 =	stileid.u32  }
0x73: {  	s1 =	rddreg [dreg:$0x1];
	p0 =	sne.s32 s2, $0x0  }
0x74: {  	s3 =	rddreg [dreg:$0x2];
	[bflag:$0x3] =	sbarrier.arrive $0xFFFF;
	s2 =	simm.s32 @!p0 $0x1C03  }
0x75: {  	[timem:s3], [sflag:s2] =	dma.local @!p0 [hbm:s0], s1  }
0x76: {  	s0 =	simm.s32 @!p0 $0x3  }
0x77: {  	_ =	swait.ge @!p0 [sflag:s0], s1  }
0x78: {  	s1 =	ssub.s32 @!p0 $0x0, s1;
	[sflag:s0] =	ssyncset.done @!p0 $0x0  }
0x79: {  	[sflag:s0] =	ssyncadd.s32 @!p0 s1  }
0x7a: {  	[bflag:$0x3] =	sbarrier.arrive $0xFFFF  }
0x7b: {  	_ =	shalt  }

// kernel: kernel.9.cloned.1.call-start
scs
__scs_entry_jumppad:
0x0: {  	(pc) =	sbr.rel $0x88, $3  }
0x1: {  	(tag) =	ssettag $0x0;
	lr =	simm.s32 $0x1  }
0x2: {  	[smem:$0x3F9B] =	sst lr;
	_ =	strace $0xD0000000  }
0x3: {  	_ = 	snop  }
0x4: {  	_ = 	snop  }
0x5: {  	_ = 	snop  }
0x6: {  	_ = 	snop  }
0x7: {  	_ = 	snop  }
__scs_overlays_trampoline_lowered:
0x8: {  	[smem:$0x3FAA] =	sst s0  }
0x9: {  	[smem:$0x3FAB] =	sst s1  }
0xa: {  	[smem:$0x3FAC] =	sst s2  }
0xb: {  	[smem:$0x3FAD] =	sst s3  }
0xc: {  	[smem:$0x3FAE] =	sst s4  }
0xd: {  	[smem:$0x3FAF] =	sst s5  }
0xe: {  	[smem:$0x3FB0] =	sst s6  }
0xf: {  	[smem:$0x3FB1] =	sst s7  }
0x10: {  	[smem:$0x3FB2] =	sst s8  }
0x11: {  	[smem:$0x3FB3] =	sst s9;
	s0 =	simm.s32 @!p0 $0x0  }
0x12: {  	s1 =	sld [smem:$0x3F99];
	s0 =	simm.s32 @p0 $0x1  }
0x13: {  	[smem:$0x3FB4] =	sst s0;
	s0 =	simm.s32 @!p1 $0x0  }
0x14: {  	s2 =	sld [smem:$0x3F98];
	s0 =	simm.s32 @p1 $0x1  }
0x15: {  	[smem:$0x3FB5] =	sst s0;
	s0 =	simm.s32 @!p2 $0x0  }
0x16: {  	s3 =	sld [smem:$0x3FDB];
	s0 =	simm.s32 @p2 $0x1  }
0x17: {  	s4 =	simm.s32 $0x1BF5;
	[smem:$0x3FB7] =	sst s0  }
0x18: {  	s0 =	sld [smem:$0x3F9A];
	_ =	swait.ge [sflag:s4], $0x0  }
0x19: {  	s7 =	sld [smem:$0x3F9B]  }
0x1a: {  	s8 =	sadd.s32 $0xFFFFE003, lr  }
0x1b: {  	s9 =	sadd.s32 $0xFFFFFEF7, lr;
	s5 =	simm.s32 $0xFFFFFFFF;
	p2 =	slt.u32 s8, $0xFFFFF086  }
0x1c: {  	p1 =	slt.u32 s9, $0xF7A;
	s5 =	simm.s32 @!p2 $0x0  }
0x1d: {  	s5 =	simm.s32 @p1 $0x1;
	p0 =	seq.s32 s7, s2  }
0x1e: {  	s7 =	smul.u32 @!p0 $0xF7A, s2;
	p2 =	seq.s32 @!p0 s5, $0x0  }
0x1f: {  	s9 =	smul.u32 $0xF7A, s1;
	s8 =	simm.s32 @!p0 $0x1BF5;
	p2 =	por !p2, p0  }
0x20: {  	[sflag:s8] =	ssyncset.s32 @!p0 $0xFFFFF086;
	s6 =	sadd.s32 @!p0 s3, s7;
	s7 =	simm.s32 @!p0 $0x108  }
0x21: {  	s3 =	sadd.s32 s3, s9;
	s6 =	sadd.s32 @!p0 $0x88, s6;
	s7 =	simm.s32 @p2 $0x1082  }
0x22: {  	[simem:s7], [sflag:s8] =	dma.local @!p0 [hbm:s6], $0xF7A  }
0x23: {  	s9 =	sor.u32 $0xD0000000, s2;
	s6 =	simm.s32 $0x108;
	_ =	swait.ge @!p0 [sflag:s8], $0x0  }
0x24: {  	s3 =	sadd.s32 $0x88, s3;
	s6 =	simm.s32 @!p1 $0x1082;
	[sflag:s4] =	ssyncset.s32 $0xFFFFF086  }
0x25: {  	[simem:s6], [sflag:s4] =	dma.local [hbm:s3], $0xF7A  }
0x26: {  	[smem:$0x3F9B] =	sst s1;
	(tag) =	ssettag s2;
	_ =	strace s9  }
0x27: {  	s1 =	sld [smem:$0x3FAB]  }
0x28: {  	s2 =	sld [smem:$0x3FAC]  }
0x29: {  	s4 =	sld [smem:$0x3FAE]  }
0x2a: {  	p0 =	seq.s32 s5, $0x0;
	s5 =	sld [smem:$0x3FAF]  }
0x2b: {  	s6 =	sld [smem:$0x3FB0]  }
0x2c: {  	s7 =	sld [smem:$0x3FB1]  }
0x2d: {  	s3 =	simm.s32 $0x108;
	s8 =	sld [smem:$0x3FB2]  }
0x2e: {  	s3 =	simm.s32 @!p0 $0x1082;
	s9 =	sld [smem:$0x3FB3]  }
0x2f: {  	lr =	sadd.s32 s0, s3;
	s0 =	sld [smem:$0x3FAA]  }
0x30: {  	s3 =	sld [smem:$0x3FAD]  }
0x31: {  	[smem:$0x3FB6] =	sst s10  }
0x32: {  	s10 =	sld [smem:$0x3FB4];
	_ =	sdelay $0x3  }
0x33: {  	p0 =	seq.s32 s10, $0x1;
	s10 =	sld [smem:$0x3FB6];
	_ =	sdelay $0x3  }
0x34: {  	[smem:$0x3FB6] =	sst s10  }
0x35: {  	s10 =	sld [smem:$0x3FB5];
	_ =	sdelay $0x3  }
0x36: {  	p1 =	seq.s32 s10, $0x1;
	s10 =	sld [smem:$0x3FB6];
	_ =	sdelay $0x3  }
0x37: {  	[smem:$0x3FB6] =	sst s10  }
0x38: {  	s10 =	sld [smem:$0x3FB7]  }
0x39: {  	_ = 	snop;
	(pc) =	sbr.ind lr, $3  }
0x3a: {  	_ = 	snop  }
0x3b: {  	_ = 	snop  }
0x3c: {  	p2 =	seq.s32 s10, $0x1;
	s10 =	sld [smem:$0x3FB6]  }
0x3d: {  	_ =	shalt  }
0x3e: {  	_ =	shalt  }
0x3f: {  	_ =	shalt  }
0x40: {  	_ =	shalt  }
0x41: {  	_ =	shalt  }
0x42: {  	_ =	shalt  }
0x43: {  	_ =	shalt  }
0x44: {  	_ =	shalt  }
0x45: {  	_ =	shalt  }
0x46: {  	_ =	shalt  }
0x47: {  	_ =	shalt  }
0x48: {  	_ =	shalt  }
0x49: {  	_ =	shalt  }
0x4a: {  	_ =	shalt  }
0x4b: {  	_ =	shalt  }
0x4c: {  	_ =	shalt  }
0x4d: {  	_ =	shalt  }
0x4e: {  	_ =	shalt  }
0x4f: {  	_ =	shalt  }
0x50: {  	_ =	shalt  }
0x51: {  	_ =	shalt  }
0x52: {  	_ =	shalt  }
0x53: {  	_ =	shalt  }
0x54: {  	_ =	shalt  }
0x55: {  	_ =	shalt  }
0x56: {  	_ =	shalt  }
0x57: {  	_ =	shalt  }
0x58: {  	_ =	shalt  }
0x59: {  	_ =	shalt  }
0x5a: {  	_ =	shalt  }
0x5b: {  	_ =	shalt  }
0x5c: {  	_ =	shalt  }
0x5d: {  	_ =	shalt  }
0x5e: {  	_ =	shalt  }
0x5f: {  	_ =	shalt  }
0x60: {  	_ =	shalt  }
0x61: {  	_ =	shalt  }
0x62: {  	_ =	shalt  }
0x63: {  	_ =	shalt  }
0x64: {  	_ =	shalt  }
0x65: {  	_ =	shalt  }
0x66: {  	_ =	shalt  }
0x67: {  	_ =	shalt  }
0x68: {  	_ =	shalt  }
0x69: {  	_ =	shalt  }
0x6a: {  	_ =	shalt  }
0x6b: {  	_ =	shalt  }
0x6c: {  	_ =	shalt  }
0x6d: {  	_ =	shalt  }
0x6e: {  	_ =	shalt  }
0x6f: {  	_ =	shalt  }
0x70: {  	_ =	shalt  }
0x71: {  	_ =	shalt  }
0x72: {  	_ =	shalt  }
0x73: {  	_ =	shalt  }
0x74: {  	_ =	shalt  }
0x75: {  	_ =	shalt  }
0x76: {  	_ =	shalt  }
0x77: {  	_ =	shalt  }
0x78: {  	_ =	shalt  }
0x79: {  	_ =	shalt  }
0x7a: {  	_ =	shalt  }
0x7b: {  	_ =	shalt  }
0x7c: {  	_ =	shalt  }
0x7d: {  	_ =	shalt  }
0x7e: {  	_ =	shalt  }
0x7f: {  	_ =	shalt  }
0x80: {  	_ =	shalt  }
0x81: {  	_ =	shalt  }
0x82: {  	_ =	shalt  }
0x83: {  	_ =	shalt  }
0x84: {  	_ =	shalt  }
0x85: {  	_ =	shalt  }
0x86: {  	_ =	shalt  }
0x87: {  	_ =	shalt  }
.Lfunc_end0:
.L_simem_size_0:
called_computation_lowered:
.L_overlay_start_0:
0x88: {  	s2 =	sld [smem:$0x3FD9]  }
0x89: {  	s3 =	sld [smem:$0x3FFE];
	_ =	sdelay $0x1  }
0x8a: {  	s1 =	srdreg.scid  }
0x8b: {  	s0 =	sand.u32 $0x1, s1  }
0x8c: {  	s17 =	sshll.u32 s0, $0xA;
	s2 =	sadd.s32 s3, s2  }
0x8d: {  	s2 =	sadd.s32 s2, s17  }
0x8e: {  	[smem:$0x3FC2] =	sst s2  }
0x8f: {  	_ = 	snop  }
0x90: {  	s2 =	sld [smem:$0x3FD0];
	(tm) =	ssettm $0x1  }
0x91: {  	s18 =	sld [smem:$0x3FFB];
	_ =	sdelay $0x3  }
0x92: {  	_ =	strace s18  }
0x93: {  	s3 =	sld [smem:$0x3FFC];
	_ =	sdelay $0x3  }
0x94: {  	_ =	strace s3  }
0x95: {  	s3 =	sld [smem:$0x3FFD];
	_ =	sdelay $0x3  }
0x96: {  	_ =	strace s3  }
0x97: {  	_ =	strace $0x8FFFFFFF  }
0x98: {  	s19 =	sld [smem:$0x3FDB];
	_ =	sdelay $0x1  }
0x99: {  	s4 =	simm.s32 $_scs_section_size  }
0x9a: {  	s5 =	simm.s32 $_size__tile_overlayer_lowered;
	s6 =	simm.s32 $_tile_overlayer_lowered  }
0x9b: {  	s22 =	simm.s32 $0x1BFF;
	s21 =	sshll.u32 s6, $0x1;
	s3 =	sadd.s32 s4, s19  }
0x9c: {  	s7 =	simm.s32 $0x0;
	s20 =	sshll.u32 s5, $0x1;
	s5 =	sadd.s32 s21, s3  }
0x9d: {  	[timem:s7], [sflag:s22] =	dma.local [hbm:s5], s20  }
0x9e: {  	_ =	swait.ge [sflag:s22], s20  }
0x9f: {  	s4 =	ssub.s32 $0x0, s20;
	[sflag:s22] =	ssyncset.done $0x0  }
0xa0: {  	[sflag:s22] =	ssyncadd.s32 s4;
	_ =	sdelay $0x1  }
0xa1: {  	s23 =	simm.s32 $0x1B8B  }
0xa2: {  	_ =	swait.ge [sflag:s23], $0x1  }
0xa3: {  	[sflag:s23] =	ssyncset.done $0x0  }
0xa4: {  	s25 =	simm.s32 $0x1B8E;
	s24 =	sld [smem:$0x3FFE];
	[sflag:s23] =	ssyncadd.s32 $0xFFFFFFFF  }
0xa5: {  	s26 =	simm.s32 $execute0_lowered;
	[smem:$0x3FD2] =	sst s25  }
0xa6: {  	s5 =	sshll.u32 s26, $0x1;
	_ =	strace $0x80000046;
	[dreg:$0x1] =	wrdreg $0xFFFFFFFF  }
0xa7: {  	s28 =	simm.s32 $_size_execute0_lowered;
	s3 =	sadd.s32 s3, s5;
	[dreg:$0x0] =	wrdreg $0x0  }
0xa8: {  	s5 =	sshll.u32 s28, $0x1;
	[dreg:$0x2] =	wrdreg s3  }
0xa9: {  	[dreg:$0x3] =	wrdreg s5  }
0xaa: {  	[dreg:$0x4] =	wrdreg $0xC0  }
0xab: {  	_ =	task [dreg:s7], $0x5FFFF  }
0xac: {  	[dreg:$0x1] =	wrdreg $0xFFFFFFFF  }
0xad: {  	[dreg:$0x0] =	wrdreg $0x60  }
0xae: {  	[dreg:$0x2] =	wrdreg s24  }
0xaf: {  	[dreg:$0x3] =	wrdreg s2  }
0xb0: {  	[dreg:$0x4] =	wrdreg $0x9  }
0xb1: {  	_ =	task.clear_ibuf [dreg:s7], $0x5FFFF;
	_ =	strace $0x90000046  }
0xb2: {  	s29 =	simm.s32 $0x9;
	_ =	strace $0x80000048  }
0xb3: {  	_ =	swait.ge [sflag:s29], $0x1  }
0xb4: {  	[sflag:s29] =	ssyncadd.s32 $0xFFFFFFFF  }
0xb5: {  	_ =	strace $0x90000048  }
0xb6: {  	_ =	sfence  }
0xb7: {  	s30 =	sld [smem:$0x0];
	_ =	sdelay $0x2  }
0xb8: {  	s31 =	sshll.u32 s1, $0xD;
	s1 =	sshrl.u32 s1, $0x2  }
0xb9: {  	s3 =	sand.u32 $0x4000, s31;
	s1 =	sadd.s32 s1, s30  }
0xba: {  	s0 =	sor.u32 s3, s0;
	s1 =	sshll.u32 s1, $0x11  }
0xbb: {  	s0 =	sor.u32 s1, s0  }
0xbc: {  	s0 =	sadd.s32 $0x8F2B, s0  }
0xbd: {  	[sflag:s0] =	ssyncadd.remote.s32 $0x1  }
0xbe: {  	_ =	sfence.sel $0xFFFF  }
0xbf: {  	[dreg:$0x0] =	wrdreg $0xFFFFFFFF;
	(pc) =	sbr.abs _section_cstart, $3  }
0xc0: {  	[dreg:$0x1] =	wrdreg $0xFFFFFFFF  }
0xc1: {  	_ =	task.clear_ibuf [dreg:s7], $0x2FFFF;
	_ =	strace $0x9FFFFFFF  }
0xc2: {  	(tm) =	ssettm $0x7FFFFFFF  }
0xc3: {  	_ =	shalt  }
tec
execute0_lowered:
.L_overlay_start_1:
0x0: {  	(tag) =	ssettag $0x1  }
0x1: {  	s3 =	rddreg [dreg:$0x0]  }
0x2: {  	s0 =	srdreg.scid;
	s1 =	stileid.u32  }
0x3: {  	s5 =	rddreg [dreg:$0x1];
	s4 =	sand.u32 $0x1, s0;
	s7 =	smul.u32 $0x280, s1  }
0x4: {  	s2 =	simm.s32 $0x0;
	s11 =	simm.s32 $0x0;
	s6 =	smul.u32 $0x2800, s4  }
0x5: {  	s0 =	rddreg [dreg:$0x2];
	s9 =	sshrl.u32 s1, $0x3;
	s8 =	smul.u32 $0x28000, s4  }
0x6: {  	[smem:$0x7FF] =	sst s2;
	s10 =	sshll.u32 s1, $0x7;
	s9 =	smul.u32 $0x14000, s9  }
0x7: {  	_ =	strace $0x80000047;
	s30 =	sand.u32 $0x380, s10;
	s4 =	ssub.s32 $0x2, s4  }
0x8: {  	s10 =	simm.s32 $0x400;
	s31 =	sshrl.u32 s4, $0x1;
	s6 =	sadd.s32 s7, s6  }
0x9: {  	s29 =	sadd.s32 s8, s9;
	s8 =	ssub.s32 s4, s31;
	s9 =	simm.s32 $0x80  }
0xa: {  	s6 =	sadd.s32 s6, s3;
	s7 =	sor.u32 s30, s29;
	s3 =	sadd.s32 $0xBE00, s3  }
0xb: {  	s7 =	sshrl.u32 s7, $0x3;
	s4 =	sadd.s32 $0x6E00, s6;
	s6 =	smax.u32 s8, $0x1  }
0xc: {  	v0 =	vimm.f32 $1.000000000e+00;
	s8 =	simm.s32 $0x2800;
	s5 =	sadd.s32 s5, s7;
	s7 =	simm.s32 $0x1  }
.LBB2_1:
0xd: {  	[tilespmem:s2], [sflag:$0x1] =	stream.linear.gather [hbm4b:s3+s2], $0x2800, $0x38;
	[tilespmem:$0x3C00] =	vst v63  }
0xe: {  	_ =	swait.ge [sflag:s7], $0x2800  }
0xf: {  	[sflag:s7] =	ssyncset.done $0x0  }
0x10: {  	[sflag:s7] =	ssyncadd.s32 $0xFFFFD800  }
0x11: {  	[tilespmem:s8], [sflag:$0x1] =	stream.linear.gather [hbm4b:s4+s2], $0x1400, $0x38;
	[tilespmem:$0x3C00] =	vst v63  }
0x12: {  	_ =	swait.ge [sflag:s7], $0x1400  }
0x13: {  	[sflag:s7] =	ssyncset.done $0x0  }
0x14: {  	s12 =	simm.s32 $0x1C0;
	[sflag:s7] =	ssyncadd.s32 $0xFFFFEC00  }
.LBB2_2:
0x15: {  	s13 =	sshra.s32 s12, $0x2  }
0x16: {  	v1 =	vld [tilespmem:s13+$0x2790];
	_ =	sdelay $0x7  }
0x17: {  	[tilespmem:v1+s2+$0x0] =	vst.idx.add.f32.msk $0xffff, v0  }
0x18: {  	v1 =	vld [tilespmem:s13+$0x27A0];
	_ =	sdelay $0x7  }
0x19: {  	[tilespmem:v1+s2+$0x0] =	vst.idx.add.f32.msk $0xffff, v0  }
0x1a: {  	v1 =	vld [tilespmem:s13+$0x27B0];
	_ =	sdelay $0x7  }
0x1b: {  	[tilespmem:v1+s2+$0x0] =	vst.idx.add.f32.msk $0xffff, v0  }
0x1c: {  	v1 =	vld [tilespmem:s13+$0x27C0];
	_ =	sdelay $0x7  }
0x1d: {  	[tilespmem:v1+s2+$0x0] =	vst.idx.add.f32.msk $0xffff, v0  }
0x1e: {  	v1 =	vld [tilespmem:s13+$0x27D0];
	_ =	sdelay $0x7  }
0x1f: {  	[tilespmem:v1+s2+$0x0] =	vst.idx.add.f32.msk $0xffff, v0  }
0x20: {  	v1 =	vld [tilespmem:s13+$0x27E0];
	_ =	sdelay $0x7  }
0x21: {  	[tilespmem:v1+s2+$0x0] =	vst.idx.add.f32.msk $0xffff, v0  }
0x22: {  	v1 =	vld [tilespmem:s13+$0x27F0];
	_ =	sdelay $0x7  }
0x23: {  	[tilespmem:v1+s2+$0x0] =	vst.idx.add.f32.msk $0xffff, v0  }
0x24: {  	v1 =	vld [tilespmem:s13+$0x2800];
	_ =	sdelay $0x2  }
0x25: {  	p0 =	sne.s32 s12, $0x4FC0  }
.Ltmp0:
0x26: {  	_ = 	snop;
	(pc) =	sbr.rel @p0 .LBB2_2-.Ltmp0, $2  }
0x27: {  	_ =	sdelay $0x2  }
0x28: {  	s12 =	sadd.s32 $0x200, s12;
	[tilespmem:v1+s2+$0x0] =	vst.idx.add.f32.msk $0xffff, v0  }
0x29: {  	s11 =	sadd.s32 $0x1, s11  }
0x2a: {  	p0 =	sne.s32 s11, s6  }
.Ltmp1:
0x2b: {  	[bflag:$0x0] =	sbarrier.arrive $0xFFFF;
	(pc) =	sbr.rel @p0 .LBB2_1-.Ltmp1, $4  }
0x2c: {  	[hbm4b:s5+s9] =	stream.strided.scatter [tilespmem:s2], [sflag:$0x1], $0x2800, s10, s9, $0x38;
	[tilespmem:$0x3C00] =	vst v63  }
0x2d: {  	_ =	swait.ge [sflag:s7], $0x2800  }
0x2e: {  	[sflag:s7] =	ssyncset.done $0x0  }
0x2f: {  	[sflag:s7] =	ssyncadd.s32 $0xFFFFD800  }
0x30: {  	_ =	sfence.sel $0x180000  }
0x31: {  	[bflag:$0x0] =	sbarrier.arrive $0xFFFF  }
0x32: {  	p0 =	sne.s32 s1, $0x0;
	_ =	strace $0x90000047  }
0x33: {  	s0 =	sadd.s32 @!p0 $0x100000, s0;
	[bflag:$0x2] =	sbarrier.arrive $0xFFFF  }
0x34: {  	[sflag:s0] =	ssyncadd.tile.s32 @!p0 $0x1;
	_ =	shalt  }
.Lfunc_end2:
_tile_overlayer_lowered:
.L_overlay_start_2:
0x35: {  	(tag) =	ssettag $0x2  }
0x36: {  	s0 =	rddreg [dreg:$0x0];
	s2 =	stileid.u32  }
0x37: {  	s1 =	rddreg [dreg:$0x1];
	p0 =	sne.s32 s2, $0x0  }
0x38: {  	s3 =	rddreg [dreg:$0x2];
	[bflag:$0x3] =	sbarrier.arrive $0xFFFF;
	s2 =	simm.s32 @!p0 $0x1C01  }
0x39: {  	[timem:s3], [sflag:s2] =	dma.local @!p0 [hbm:s0], s1  }
0x3a: {  	s0 =	simm.s32 @!p0 $0x1  }
0x3b: {  	_ =	swait.ge @!p0 [sflag:s0], s1  }
0x3c: {  	s1 =	ssub.s32 @!p0 $0x0, s1;
	[sflag:s0] =	ssyncset.done @!p0 $0x0  }
0x3d: {  	[sflag:s0] =	ssyncadd.s32 @!p0 s1  }
0x3e: {  	[bflag:$0x3] =	sbarrier.arrive $0xFFFF  }
0x3f: {  	_ =	shalt  }

</sc_bundles>
